<compile_context>
chip_gen: v7x
topology: tpu7x:2x2x1
jax: 0.10.2.dev20260603
libtpu: 0.0.44.dev20260713+nightly
codegen_flags: <defaults>
</compile_context>

<pallas_src>
import functools

import jax
import jax.numpy as jnp
from jax import lax
from jax.experimental import pallas as pl
from jax.experimental.pallas import tpu as pltpu
from jax.experimental.pallas import tpu_sc as plsc

_NC = 2
_NS = 16
_NW = _NC * _NS


def _make_pool(B, L, D):
    BPW = B // _NW
    G = 4
    NGRP = BPW // G
    NCH = D // 16

    mesh = plsc.VectorSubcoreMesh(core_axis_name="c", subcore_axis_name="s")

    @functools.partial(
        pl.kernel,
        mesh=mesh,
        out_type=jax.ShapeDtypeStruct((B, D), jnp.float32),
        scratch_types=[
            pltpu.VMEM((BPW, L), jnp.int32),
            pltpu.VMEM((G * L, D), jnp.float32),
            pltpu.VMEM((BPW, D), jnp.float32),
            pltpu.SemaphoreType.DMA,
        ],
    )
    def pool(x_hbm, table_hbm, out_hbm, idx_v, buf_v, out_v, sem):
        wid = lax.axis_index("s") * _NC + lax.axis_index("c")
        base = wid * BPW
        pltpu.sync_copy(x_hbm.at[pl.ds(base, BPW)], idx_v)

        def accum_row(buf_row0, out_row):
            def tok(t, accs):
                r0 = buf_row0 + 2 * t
                return tuple(
                    accs[d]
                    + buf_v[r0, pl.ds(d * 16, 16)]
                    + buf_v[r0 + 1, pl.ds(d * 16, 16)]
                    for d in range(NCH)
                )
            accs = tuple(jnp.zeros((16,), jnp.float32) for _ in range(NCH))
            accs = lax.fori_loop(0, L // 2, tok, accs)
            for d in range(NCH):
                out_v[out_row, pl.ds(d * 16, 16)] = accs[d]

        def group(g, carry):
            copies = [
                pltpu.async_copy(
                    table_hbm.at[idx_v.at[g * G + r]],
                    buf_v.at[pl.ds(r * L, L)],
                    sem,
                )
                for r in range(G)
            ]
            for c in copies:
                c.wait()
            for r in range(G):
                accum_row(r * L, g * G + r)
            return carry

        lax.fori_loop(0, NGRP, group, 0)
        pltpu.sync_copy(out_v, out_hbm.at[pl.ds(base, BPW)])

    return pool


def _mlp_body(p_ref, len_ref, w1_ref, b1_ref, w2_ref, b2_ref, o_ref):
    rep = p_ref[...] / len_ref[...]
    h = jnp.dot(rep, w1_ref[...], preferred_element_type=jnp.float32)
    h = jnp.maximum(h + b1_ref[...], 0.0)
    o_ref[...] = (
        jnp.dot(h, w2_ref[...], preferred_element_type=jnp.float32)
        + b2_ref[...]
    )


def _mlp(pooled, lens_col, W1, b1r, W2, b2r):
    B, D = pooled.shape
    LATENT = W1.shape[1]
    OUT = W2.shape[1]
    BK = 512
    return pl.pallas_call(
        _mlp_body,
        grid=(B // BK,),
        in_specs=[
            pl.BlockSpec((BK, D), lambda i: (i, 0)),
            pl.BlockSpec((BK, 1), lambda i: (i, 0)),
            pl.BlockSpec((D, LATENT), lambda i: (0, 0)),
            pl.BlockSpec((1, LATENT), lambda i: (0, 0)),
            pl.BlockSpec((LATENT, OUT), lambda i: (0, 0)),
            pl.BlockSpec((1, OUT), lambda i: (0, 0)),
        ],
        out_specs=pl.BlockSpec((BK, OUT), lambda i: (i, 0)),
        out_shape=jax.ShapeDtypeStruct((B, OUT), jnp.float32),
    )(pooled, lens_col, W1, b1r, W2, b2r)


def kernel(x, lengths, table, W1, b1, W2, b2):
    B, L = x.shape
    _, D = table.shape
    pooled = _make_pool(B, L, D)(x.astype(jnp.int32), table)
    lens_col = lengths.astype(jnp.float32).reshape(B, 1)
    return _mlp(
        pooled,
        lens_col,
        W1,
        b1.reshape(1, -1),
        W2,
        b2.reshape(1, -1),
    )

# --- scband reference (transcript-rebuilt; emitter-appended) ---
"""Pipeline reference for scband-baseline-dnn-1202590843643 (READ-ONLY COPY).

The authoritative reference and input builder live on the scoring server;
editing this copy changes nothing except your own understanding.
"""

import jax, jax.numpy as jnp
import numpy as np

VOCAB = 100000
DIM = 128
B = 4096
L = 50
LATENT = 2 * DIM
OUT = 5


def setup_inputs(seed: int = 0) -> dict:
    key = jax.random.key(seed)
    k1, k2, k3, k4, k5 = jax.random.split(key, 5)
    x = jax.random.randint(k1, (B, L), 0, VOCAB)
    lengths = jax.random.randint(k2, (B,), 1, L + 1)
    table = jax.random.normal(k3, (VOCAB, DIM), dtype=jnp.float32) * 0.02
    W1 = jax.random.normal(k4, (DIM, LATENT), dtype=jnp.float32) * (1.0 / np.sqrt(DIM))
    b1 = jnp.zeros((LATENT,), dtype=jnp.float32)
    W2 = jax.random.normal(k5, (LATENT, OUT), dtype=jnp.float32) * (1.0 / np.sqrt(LATENT))
    b2 = jnp.zeros((OUT,), dtype=jnp.float32)
    return {"x": x, "lengths": lengths, "table": table, "W1": W1, "b1": b1, "W2": W2, "b2": b2}


def reference(x, lengths, table, W1, b1, W2, b2):
    # embedding lookup: [B, L, D]
    emb = jnp.take(table, x, axis=0)
    # sum over sequence then divide by lengths (mean over valid tokens)
    representations = jnp.sum(emb, axis=1)
    representations = representations / lengths.astype(jnp.float32)[:, None]
    h = jax.nn.relu(representations @ W1 + b1)
    logits = h @ W2 + b2
    return logits

if __name__ == "__main__":
    import jax
    _d = setup_inputs()
    print(jax.jit(kernel)(*tuple(_d.values())))

</pallas_src>

<mosaic_0001>
#map = affine_map<(d0, d1) -> (0, 0)>
module attributes {stable_mosaic.version = 14 : i64} {
  func.func @pool(%arg0: i32, %arg1: i32, %arg2: memref<4096x50xi32, #tpu.memory_space<hbm>>, %arg3: memref<100000x128xf32, #tpu.memory_space<hbm>>, %arg4: memref<4096x128xf32, #tpu.memory_space<hbm>>, %arg5: memref<128x50xi32, #tpu.memory_space<vmem>>, %arg6: memref<200x128xf32, #tpu.memory_space<vmem>>, %arg7: memref<128x128xf32, #tpu.memory_space<vmem>>, %arg8: memref<!tpu.dma_semaphore, #tpu.memory_space<semaphore_mem>>) attributes {dimension_semantics = [#tpu.dimension_semantics<core_parallel>, #tpu.dimension_semantics<subcore_parallel>], iteration_bounds = array<i64: 2, 16>, scalar_prefetch = 0 : i64, scratch_operands = 4 : i64, tpu.core_type = #tpu.core_type<sc_vector_subcore>, window_params = [{transform_indices = #map}, {transform_indices = #map}, {transform_indices = #map}]} {
    %mul3A = arith.constant 2 : i32
    %mul3A_0 = arith.muli %arg1, %mul3A : i32
    %add3A = arith.addi %mul3A_0, %arg0 : i32
    %mul3A_1 = arith.constant 128 : i32
    %mul3A_2 = arith.muli %add3A, %mul3A_1 : i32
    "tpu.region"() ({
      %run_scoped3A = tpu.sem_alloc : memref<!tpu.dma_semaphore, #tpu.memory_space<semaphore_mem>>
      %dma_start3A = arith.constant 0 : i32
      %dma_start3A_8 = tpu.memref_slice %arg2[%mul3A_2, %dma_start3A] : memref<4096x50xi32, #tpu.memory_space<hbm>> -> memref<128x50xi32, #tpu.memory_space<hbm>>
      %dma_start3A_9 = arith.constant 0 : i32
      %dma_start3A_10 = tpu.memref_slice %arg2[%mul3A_2, %dma_start3A_9] : memref<4096x50xi32, #tpu.memory_space<hbm>> -> memref<128x50xi32, #tpu.memory_space<hbm>>
      tpu.enqueue_dma source(%dma_start3A_10 : memref<128x50xi32, #tpu.memory_space<hbm>>) target(%arg5 : memref<128x50xi32, #tpu.memory_space<vmem>>) target_semaphore(%run_scoped3A : memref<!tpu.dma_semaphore, #tpu.memory_space<semaphore_mem>>)
      %dma_wait3A = arith.constant 0 : i32
      %dma_wait3A_11 = tpu.memref_slice %arg2[%mul3A_2, %dma_wait3A] : memref<4096x50xi32, #tpu.memory_space<hbm>> -> memref<128x50xi32, #tpu.memory_space<hbm>>
      %dma_wait3A_12 = arith.constant 0 : i32
      %dma_wait3A_13 = tpu.memref_slice %arg2[%mul3A_2, %dma_wait3A_12] : memref<4096x50xi32, #tpu.memory_space<hbm>> -> memref<128x50xi32, #tpu.memory_space<hbm>>
      tpu.wait_dma2 semaphore(%run_scoped3A : memref<!tpu.dma_semaphore, #tpu.memory_space<semaphore_mem>>) src(%dma_wait3A_13 : memref<128x50xi32, #tpu.memory_space<hbm>>) dst(%arg5 : memref<128x50xi32, #tpu.memory_space<vmem>>)
      tpu.yield
    }) : () -> ()
    %scan3A = arith.constant 0 : i32
    %scan3A_3 = arith.constant 0 : i32
    %scan3A_4 = arith.constant 32 : i32
    %scan3A_5 = arith.addi %scan3A_3, %scan3A_4 : i32
    %scan3A_6 = arith.constant 1 : i32
    scf.for %scan3A_8 = %scan3A_3 to %scan3A_5 step %scan3A_6  : i32 {
      %mul3A_9 = arith.constant 4 : i32
      %mul3A_10 = arith.muli %scan3A_8, %mul3A_9 : i32
      %add3A_11 = arith.constant 0 : i32
      %add3A_12 = arith.addi %mul3A_10, %add3A_11 : i32
      %dma_start3A = arith.constant 0 : i32
      %dma_start3A_13 = arith.constant 0 : i32
      %dma_start3A_14 = tpu.memref_slice %arg6[%dma_start3A, %dma_start3A_13] : memref<200x128xf32, #tpu.memory_space<vmem>> -> memref<50x128xf32, #tpu.memory_space<vmem>>
      %dma_start3A_15 = arith.constant 0 : i32
      %dma_start3A_16 = tpu.memref_slice %arg5[%add3A_12, %dma_start3A_15] : memref<128x50xi32, #tpu.memory_space<vmem>> -> memref<1x50xi32, #tpu.memory_space<vmem>>
      %dma_start3A_17 = tpu.memref_squeeze %dma_start3A_16 : memref<1x50xi32, #tpu.memory_space<vmem>> -> memref<50xi32, #tpu.memory_space<vmem>>
      %dma_start3A_18 = arith.constant 0 : i32
      %dma_start3A_19 = arith.constant 0 : i32
      %dma_start3A_20 = tpu.memref_slice %arg3[%dma_start3A_18, %dma_start3A_19] : memref<100000x128xf32, #tpu.memory_space<hbm>> -> memref<100000x128xf32, #tpu.memory_space<hbm>>
      tpu.enqueue_indirect_dma source(%dma_start3A_20 : memref<100000x128xf32, #tpu.memory_space<hbm>>) target(%dma_start3A_14 : memref<50x128xf32, #tpu.memory_space<vmem>>) offsets(%dma_start3A_17 : memref<50xi32, #tpu.memory_space<vmem>>) semaphore(%arg8 : memref<!tpu.dma_semaphore, #tpu.memory_space<semaphore_mem>>)
      %mul3A_21 = arith.constant 4 : i32
      %mul3A_22 = arith.muli %scan3A_8, %mul3A_21 : i32
      %add3A_23 = arith.constant 1 : i32
      %add3A_24 = arith.addi %mul3A_22, %add3A_23 : i32
      %dma_start3A_25 = arith.constant 50 : i32
      %dma_start3A_26 = arith.constant 0 : i32
      %dma_start3A_27 = tpu.memref_slice %arg6[%dma_start3A_25, %dma_start3A_26] : memref<200x128xf32, #tpu.memory_space<vmem>> -> memref<50x128xf32, #tpu.memory_space<vmem>>
      %dma_start3A_28 = arith.constant 0 : i32
      %dma_start3A_29 = tpu.memref_slice %arg5[%add3A_24, %dma_start3A_28] : memref<128x50xi32, #tpu.memory_space<vmem>> -> memref<1x50xi32, #tpu.memory_space<vmem>>
      %dma_start3A_30 = tpu.memref_squeeze %dma_start3A_29 : memref<1x50xi32, #tpu.memory_space<vmem>> -> memref<50xi32, #tpu.memory_space<vmem>>
      %dma_start3A_31 = arith.constant 0 : i32
      %dma_start3A_32 = arith.constant 0 : i32
      %dma_start3A_33 = tpu.memref_slice %arg3[%dma_start3A_31, %dma_start3A_32] : memref<100000x128xf32, #tpu.memory_space<hbm>> -> memref<100000x128xf32, #tpu.memory_space<hbm>>
      tpu.enqueue_indirect_dma source(%dma_start3A_33 : memref<100000x128xf32, #tpu.memory_space<hbm>>) target(%dma_start3A_27 : memref<50x128xf32, #tpu.memory_space<vmem>>) offsets(%dma_start3A_30 : memref<50xi32, #tpu.memory_space<vmem>>) semaphore(%arg8 : memref<!tpu.dma_semaphore, #tpu.memory_space<semaphore_mem>>)
      %mul3A_34 = arith.constant 4 : i32
      %mul3A_35 = arith.muli %scan3A_8, %mul3A_34 : i32
      %add3A_36 = arith.constant 2 : i32
      %add3A_37 = arith.addi %mul3A_35, %add3A_36 : i32
      %dma_start3A_38 = arith.constant 100 : i32
      %dma_start3A_39 = arith.constant 0 : i32
      %dma_start3A_40 = tpu.memref_slice %arg6[%dma_start3A_38, %dma_start3A_39] : memref<200x128xf32, #tpu.memory_space<vmem>> -> memref<50x128xf32, #tpu.memory_space<vmem>>
      %dma_start3A_41 = arith.constant 0 : i32
      %dma_start3A_42 = tpu.memref_slice %arg5[%add3A_37, %dma_start3A_41] : memref<128x50xi32, #tpu.memory_space<vmem>> -> memref<1x50xi32, #tpu.memory_space<vmem>>
      %dma_start3A_43 = tpu.memref_squeeze %dma_start3A_42 : memref<1x50xi32, #tpu.memory_space<vmem>> -> memref<50xi32, #tpu.memory_space<vmem>>
      %dma_start3A_44 = arith.constant 0 : i32
      %dma_start3A_45 = arith.constant 0 : i32
      %dma_start3A_46 = tpu.memref_slice %arg3[%dma_start3A_44, %dma_start3A_45] : memref<100000x128xf32, #tpu.memory_space<hbm>> -> memref<100000x128xf32, #tpu.memory_space<hbm>>
      tpu.enqueue_indirect_dma source(%dma_start3A_46 : memref<100000x128xf32, #tpu.memory_space<hbm>>) target(%dma_start3A_40 : memref<50x128xf32, #tpu.memory_space<vmem>>) offsets(%dma_start3A_43 : memref<50xi32, #tpu.memory_space<vmem>>) semaphore(%arg8 : memref<!tpu.dma_semaphore, #tpu.memory_space<semaphore_mem>>)
      %mul3A_47 = arith.constant 4 : i32
      %mul3A_48 = arith.muli %scan3A_8, %mul3A_47 : i32
      %add3A_49 = arith.constant 3 : i32
      %add3A_50 = arith.addi %mul3A_48, %add3A_49 : i32
      %dma_start3A_51 = arith.constant 150 : i32
      %dma_start3A_52 = arith.constant 0 : i32
      %dma_start3A_53 = tpu.memref_slice %arg6[%dma_start3A_51, %dma_start3A_52] : memref<200x128xf32, #tpu.memory_space<vmem>> -> memref<50x128xf32, #tpu.memory_space<vmem>>
      %dma_start3A_54 = arith.constant 0 : i32
      %dma_start3A_55 = tpu.memref_slice %arg5[%add3A_50, %dma_start3A_54] : memref<128x50xi32, #tpu.memory_space<vmem>> -> memref<1x50xi32, #tpu.memory_space<vmem>>
      %dma_start3A_56 = tpu.memref_squeeze %dma_start3A_55 : memref<1x50xi32, #tpu.memory_space<vmem>> -> memref<50xi32, #tpu.memory_space<vmem>>
      %dma_start3A_57 = arith.constant 0 : i32
      %dma_start3A_58 = arith.constant 0 : i32
      %dma_start3A_59 = tpu.memref_slice %arg3[%dma_start3A_57, %dma_start3A_58] : memref<100000x128xf32, #tpu.memory_space<hbm>> -> memref<100000x128xf32, #tpu.memory_space<hbm>>
      tpu.enqueue_indirect_dma source(%dma_start3A_59 : memref<100000x128xf32, #tpu.memory_space<hbm>>) target(%dma_start3A_53 : memref<50x128xf32, #tpu.memory_space<vmem>>) offsets(%dma_start3A_56 : memref<50xi32, #tpu.memory_space<vmem>>) semaphore(%arg8 : memref<!tpu.dma_semaphore, #tpu.memory_space<semaphore_mem>>)
      %dma_wait3A = arith.constant 0 : i32
      %dma_wait3A_60 = arith.constant 0 : i32
      %dma_wait3A_61 = tpu.memref_slice %arg6[%dma_wait3A, %dma_wait3A_60] : memref<200x128xf32, #tpu.memory_space<vmem>> -> memref<50x128xf32, #tpu.memory_space<vmem>>
      %dma_wait3A_62 = arith.constant 0 : i32
      %dma_wait3A_63 = tpu.memref_slice %arg5[%add3A_12, %dma_wait3A_62] : memref<128x50xi32, #tpu.memory_space<vmem>> -> memref<1x50xi32, #tpu.memory_space<vmem>>
      %dma_wait3A_64 = tpu.memref_squeeze %dma_wait3A_63 : memref<1x50xi32, #tpu.memory_space<vmem>> -> memref<50xi32, #tpu.memory_space<vmem>>
      %dma_wait3A_65 = arith.constant 0 : i32
      %dma_wait3A_66 = arith.constant 0 : i32
      %dma_wait3A_67 = tpu.memref_slice %arg3[%dma_wait3A_65, %dma_wait3A_66] : memref<100000x128xf32, #tpu.memory_space<hbm>> -> memref<100000x128xf32, #tpu.memory_space<hbm>>
      tpu.wait_indirect_dma semaphore(%arg8 : memref<!tpu.dma_semaphore, #tpu.memory_space<semaphore_mem>>) src(%dma_wait3A_67 : memref<100000x128xf32, #tpu.memory_space<hbm>>) dst(%dma_wait3A_61 : memref<50x128xf32, #tpu.memory_space<vmem>>)
      %dma_wait3A_68 = arith.constant 50 : i32
      %dma_wait3A_69 = arith.constant 0 : i32
      %dma_wait3A_70 = tpu.memref_slice %arg6[%dma_wait3A_68, %dma_wait3A_69] : memref<200x128xf32, #tpu.memory_space<vmem>> -> memref<50x128xf32, #tpu.memory_space<vmem>>
      %dma_wait3A_71 = arith.constant 0 : i32
      %dma_wait3A_72 = tpu.memref_slice %arg5[%add3A_24, %dma_wait3A_71] : memref<128x50xi32, #tpu.memory_space<vmem>> -> memref<1x50xi32, #tpu.memory_space<vmem>>
      %dma_wait3A_73 = tpu.memref_squeeze %dma_wait3A_72 : memref<1x50xi32, #tpu.memory_space<vmem>> -> memref<50xi32, #tpu.memory_space<vmem>>
      %dma_wait3A_74 = arith.constant 0 : i32
      %dma_wait3A_75 = arith.constant 0 : i32
      %dma_wait3A_76 = tpu.memref_slice %arg3[%dma_wait3A_74, %dma_wait3A_75] : memref<100000x128xf32, #tpu.memory_space<hbm>> -> memref<100000x128xf32, #tpu.memory_space<hbm>>
      tpu.wait_indirect_dma semaphore(%arg8 : memref<!tpu.dma_semaphore, #tpu.memory_space<semaphore_mem>>) src(%dma_wait3A_76 : memref<100000x128xf32, #tpu.memory_space<hbm>>) dst(%dma_wait3A_70 : memref<50x128xf32, #tpu.memory_space<vmem>>)
      %dma_wait3A_77 = arith.constant 100 : i32
      %dma_wait3A_78 = arith.constant 0 : i32
      %dma_wait3A_79 = tpu.memref_slice %arg6[%dma_wait3A_77, %dma_wait3A_78] : memref<200x128xf32, #tpu.memory_space<vmem>> -> memref<50x128xf32, #tpu.memory_space<vmem>>
      %dma_wait3A_80 = arith.constant 0 : i32
      %dma_wait3A_81 = tpu.memref_slice %arg5[%add3A_37, %dma_wait3A_80] : memref<128x50xi32, #tpu.memory_space<vmem>> -> memref<1x50xi32, #tpu.memory_space<vmem>>
      %dma_wait3A_82 = tpu.memref_squeeze %dma_wait3A_81 : memref<1x50xi32, #tpu.memory_space<vmem>> -> memref<50xi32, #tpu.memory_space<vmem>>
      %dma_wait3A_83 = arith.constant 0 : i32
      %dma_wait3A_84 = arith.constant 0 : i32
      %dma_wait3A_85 = tpu.memref_slice %arg3[%dma_wait3A_83, %dma_wait3A_84] : memref<100000x128xf32, #tpu.memory_space<hbm>> -> memref<100000x128xf32, #tpu.memory_space<hbm>>
      tpu.wait_indirect_dma semaphore(%arg8 : memref<!tpu.dma_semaphore, #tpu.memory_space<semaphore_mem>>) src(%dma_wait3A_85 : memref<100000x128xf32, #tpu.memory_space<hbm>>) dst(%dma_wait3A_79 : memref<50x128xf32, #tpu.memory_space<vmem>>)
      %dma_wait3A_86 = arith.constant 150 : i32
      %dma_wait3A_87 = arith.constant 0 : i32
      %dma_wait3A_88 = tpu.memref_slice %arg6[%dma_wait3A_86, %dma_wait3A_87] : memref<200x128xf32, #tpu.memory_space<vmem>> -> memref<50x128xf32, #tpu.memory_space<vmem>>
      %dma_wait3A_89 = arith.constant 0 : i32
      %dma_wait3A_90 = tpu.memref_slice %arg5[%add3A_50, %dma_wait3A_89] : memref<128x50xi32, #tpu.memory_space<vmem>> -> memref<1x50xi32, #tpu.memory_space<vmem>>
      %dma_wait3A_91 = tpu.memref_squeeze %dma_wait3A_90 : memref<1x50xi32, #tpu.memory_space<vmem>> -> memref<50xi32, #tpu.memory_space<vmem>>
      %dma_wait3A_92 = arith.constant 0 : i32
      %dma_wait3A_93 = arith.constant 0 : i32
      %dma_wait3A_94 = tpu.memref_slice %arg3[%dma_wait3A_92, %dma_wait3A_93] : memref<100000x128xf32, #tpu.memory_space<hbm>> -> memref<100000x128xf32, #tpu.memory_space<hbm>>
      tpu.wait_indirect_dma semaphore(%arg8 : memref<!tpu.dma_semaphore, #tpu.memory_space<semaphore_mem>>) src(%dma_wait3A_94 : memref<100000x128xf32, #tpu.memory_space<hbm>>) dst(%dma_wait3A_88 : memref<50x128xf32, #tpu.memory_space<vmem>>)
      %mul3A_95 = arith.constant 4 : i32
      %mul3A_96 = arith.muli %scan3A_8, %mul3A_95 : i32
      %add3A_97 = arith.constant 0 : i32
      %add3A_98 = arith.addi %mul3A_96, %add3A_97 : i32
      %broadcast_in_dim3A = arith.constant 0.000000e+00 : f32
      %broadcast_in_dim3A_99 = vector.broadcast %broadcast_in_dim3A : f32 to vector<16xf32>
      %broadcast_in_dim3A_100 = arith.constant 0.000000e+00 : f32
      %broadcast_in_dim3A_101 = vector.broadcast %broadcast_in_dim3A_100 : f32 to vector<16xf32>
      %broadcast_in_dim3A_102 = arith.constant 0.000000e+00 : f32
      %broadcast_in_dim3A_103 = vector.broadcast %broadcast_in_dim3A_102 : f32 to vector<16xf32>
      %broadcast_in_dim3A_104 = arith.constant 0.000000e+00 : f32
      %broadcast_in_dim3A_105 = vector.broadcast %broadcast_in_dim3A_104 : f32 to vector<16xf32>
      %broadcast_in_dim3A_106 = arith.constant 0.000000e+00 : f32
      %broadcast_in_dim3A_107 = vector.broadcast %broadcast_in_dim3A_106 : f32 to vector<16xf32>
      %broadcast_in_dim3A_108 = arith.constant 0.000000e+00 : f32
      %broadcast_in_dim3A_109 = vector.broadcast %broadcast_in_dim3A_108 : f32 to vector<16xf32>
      %broadcast_in_dim3A_110 = arith.constant 0.000000e+00 : f32
      %broadcast_in_dim3A_111 = vector.broadcast %broadcast_in_dim3A_110 : f32 to vector<16xf32>
      %broadcast_in_dim3A_112 = arith.constant 0.000000e+00 : f32
      %broadcast_in_dim3A_113 = vector.broadcast %broadcast_in_dim3A_112 : f32 to vector<16xf32>
      %scan3A_114 = arith.constant 0 : i32
      %scan3A_115 = arith.constant 25 : i32
      %scan3A_116 = arith.addi %scan3A_114, %scan3A_115 : i32
      %scan3A_117 = arith.constant 1 : i32
      %scan3A_118:8 = scf.for %scan3A_357 = %scan3A_114 to %scan3A_116 step %scan3A_117 iter_args(%scan3A_358 = %broadcast_in_dim3A_99, %scan3A_359 = %broadcast_in_dim3A_101, %scan3A_360 = %broadcast_in_dim3A_103, %scan3A_361 = %broadcast_in_dim3A_105, %scan3A_362 = %broadcast_in_dim3A_107, %scan3A_363 = %broadcast_in_dim3A_109, %scan3A_364 = %broadcast_in_dim3A_111, %scan3A_365 = %broadcast_in_dim3A_113) -> (vector<16xf32>, vector<16xf32>, vector<16xf32>, vector<16xf32>, vector<16xf32>, vector<16xf32>, vector<16xf32>, vector<16xf32>)  : i32 {
        %mul3A_366 = arith.constant 2 : i32
        %mul3A_367 = arith.muli %mul3A_366, %scan3A_357 : i32
        %add3A_368 = arith.constant 0 : i32
        %add3A_369 = arith.addi %add3A_368, %mul3A_367 : i32
        %get3A = arith.index_cast %add3A_369 : i32 to index
        %get3A_370 = arith.constant 0 : index
        %get3A_371 = tpu.vector_load %arg6[%get3A, %get3A_370] {strides = array<i32>} : memref<200x128xf32, #tpu.memory_space<vmem>>, vector<1x16xf32>,
        %get3A_372 = vector.shape_cast %get3A_371 : vector<1x16xf32> to vector<16xf32>
        %add3A_373 = arith.addf %scan3A_358, %get3A_372 : vector<16xf32>
        %add3A_374 = arith.constant 1 : i32
        %add3A_375 = arith.addi %add3A_369, %add3A_374 : i32
        %get3A_376 = arith.index_cast %add3A_375 : i32 to index
        %get3A_377 = arith.constant 0 : index
        %get3A_378 = tpu.vector_load %arg6[%get3A_376, %get3A_377] {strides = array<i32>} : memref<200x128xf32, #tpu.memory_space<vmem>>, vector<1x16xf32>,
        %get3A_379 = vector.shape_cast %get3A_378 : vector<1x16xf32> to vector<16xf32>
        %add3A_380 = arith.addf %add3A_373, %get3A_379 : vector<16xf32>
        %get3A_381 = arith.index_cast %add3A_369 : i32 to index
        %get3A_382 = arith.constant 16 : index
        %get3A_383 = tpu.vector_load %arg6[%get3A_381, %get3A_382] {strides = array<i32>} : memref<200x128xf32, #tpu.memory_space<vmem>>, vector<1x16xf32>,
        %get3A_384 = vector.shape_cast %get3A_383 : vector<1x16xf32> to vector<16xf32>
        %add3A_385 = arith.addf %scan3A_359, %get3A_384 : vector<16xf32>
        %add3A_386 = arith.constant 1 : i32
        %add3A_387 = arith.addi %add3A_369, %add3A_386 : i32
        %get3A_388 = arith.index_cast %add3A_387 : i32 to index
        %get3A_389 = arith.constant 16 : index
        %get3A_390 = tpu.vector_load %arg6[%get3A_388, %get3A_389] {strides = array<i32>} : memref<200x128xf32, #tpu.memory_space<vmem>>, vector<1x16xf32>,
        %get3A_391 = vector.shape_cast %get3A_390 : vector<1x16xf32> to vector<16xf32>
        %add3A_392 = arith.addf %add3A_385, %get3A_391 : vector<16xf32>
        %get3A_393 = arith.index_cast %add3A_369 : i32 to index
        %get3A_394 = arith.constant 32 : index
        %get3A_395 = tpu.vector_load %arg6[%get3A_393, %get3A_394] {strides = array<i32>} : memref<200x128xf32, #tpu.memory_space<vmem>>, vector<1x16xf32>,
        %get3A_396 = vector.shape_cast %get3A_395 : vector<1x16xf32> to vector<16xf32>
        %add3A_397 = arith.addf %scan3A_360, %get3A_396 : vector<16xf32>
        %add3A_398 = arith.constant 1 : i32
        %add3A_399 = arith.addi %add3A_369, %add3A_398 : i32
        %get3A_400 = arith.index_cast %add3A_399 : i32 to index
        %get3A_401 = arith.constant 32 : index
        %get3A_402 = tpu.vector_load %arg6[%get3A_400, %get3A_401] {strides = array<i32>} : memref<200x128xf32, #tpu.memory_space<vmem>>, vector<1x16xf32>,
        %get3A_403 = vector.shape_cast %get3A_402 : vector<1x16xf32> to vector<16xf32>
        %add3A_404 = arith.addf %add3A_397, %get3A_403 : vector<16xf32>
        %get3A_405 = arith.index_cast %add3A_369 : i32 to index
        %get3A_406 = arith.constant 48 : index
        %get3A_407 = tpu.vector_load %arg6[%get3A_405, %get3A_406] {strides = array<i32>} : memref<200x128xf32, #tpu.memory_space<vmem>>, vector<1x16xf32>,
        %get3A_408 = vector.shape_cast %get3A_407 : vector<1x16xf32> to vector<16xf32>
        %add3A_409 = arith.addf %scan3A_361, %get3A_408 : vector<16xf32>
        %add3A_410 = arith.constant 1 : i32
        %add3A_411 = arith.addi %add3A_369, %add3A_410 : i32
        %get3A_412 = arith.index_cast %add3A_411 : i32 to index
        %get3A_413 = arith.constant 48 : index
        %get3A_414 = tpu.vector_load %arg6[%get3A_412, %get3A_413] {strides = array<i32>} : memref<200x128xf32, #tpu.memory_space<vmem>>, vector<1x16xf32>,
        %get3A_415 = vector.shape_cast %get3A_414 : vector<1x16xf32> to vector<16xf32>
        %add3A_416 = arith.addf %add3A_409, %get3A_415 : vector<16xf32>
        %get3A_417 = arith.index_cast %add3A_369 : i32 to index
        %get3A_418 = arith.constant 64 : index
        %get3A_419 = tpu.vector_load %arg6[%get3A_417, %get3A_418] {strides = array<i32>} : memref<200x128xf32, #tpu.memory_space<vmem>>, vector<1x16xf32>,
        %get3A_420 = vector.shape_cast %get3A_419 : vector<1x16xf32> to vector<16xf32>
        %add3A_421 = arith.addf %scan3A_362, %get3A_420 : vector<16xf32>
        %add3A_422 = arith.constant 1 : i32
        %add3A_423 = arith.addi %add3A_369, %add3A_422 : i32
        %get3A_424 = arith.index_cast %add3A_423 : i32 to index
        %get3A_425 = arith.constant 64 : index
        %get3A_426 = tpu.vector_load %arg6[%get3A_424, %get3A_425] {strides = array<i32>} : memref<200x128xf32, #tpu.memory_space<vmem>>, vector<1x16xf32>,
        %get3A_427 = vector.shape_cast %get3A_426 : vector<1x16xf32> to vector<16xf32>
        %add3A_428 = arith.addf %add3A_421, %get3A_427 : vector<16xf32>
        %get3A_429 = arith.index_cast %add3A_369 : i32 to index
        %get3A_430 = arith.constant 80 : index
        %get3A_431 = tpu.vector_load %arg6[%get3A_429, %get3A_430] {strides = array<i32>} : memref<200x128xf32, #tpu.memory_space<vmem>>, vector<1x16xf32>,
        %get3A_432 = vector.shape_cast %get3A_431 : vector<1x16xf32> to vector<16xf32>
        %add3A_433 = arith.addf %scan3A_363, %get3A_432 : vector<16xf32>
        %add3A_434 = arith.constant 1 : i32
        %add3A_435 = arith.addi %add3A_369, %add3A_434 : i32
        %get3A_436 = arith.index_cast %add3A_435 : i32 to index
        %get3A_437 = arith.constant 80 : index
        %get3A_438 = tpu.vector_load %arg6[%get3A_436, %get3A_437] {strides = array<i32>} : memref<200x128xf32, #tpu.memory_space<vmem>>, vector<1x16xf32>,
        %get3A_439 = vector.shape_cast %get3A_438 : vector<1x16xf32> to vector<16xf32>
        %add3A_440 = arith.addf %add3A_433, %get3A_439 : vector<16xf32>
        %get3A_441 = arith.index_cast %add3A_369 : i32 to index
        %get3A_442 = arith.constant 96 : index
        %get3A_443 = tpu.vector_load %arg6[%get3A_441, %get3A_442] {strides = array<i32>} : memref<200x128xf32, #tpu.memory_space<vmem>>, vector<1x16xf32>,
        %get3A_444 = vector.shape_cast %get3A_443 : vector<1x16xf32> to vector<16xf32>
        %add3A_445 = arith.addf %scan3A_364, %get3A_444 : vector<16xf32>
        %add3A_446 = arith.constant 1 : i32
        %add3A_447 = arith.addi %add3A_369, %add3A_446 : i32
        %get3A_448 = arith.index_cast %add3A_447 : i32 to index
        %get3A_449 = arith.constant 96 : index
        %get3A_450 = tpu.vector_load %arg6[%get3A_448, %get3A_449] {strides = array<i32>} : memref<200x128xf32, #tpu.memory_space<vmem>>, vector<1x16xf32>,
        %get3A_451 = vector.shape_cast %get3A_450 : vector<1x16xf32> to vector<16xf32>
        %add3A_452 = arith.addf %add3A_445, %get3A_451 : vector<16xf32>
        %get3A_453 = arith.index_cast %add3A_369 : i32 to index
        %get3A_454 = arith.constant 112 : index
        %get3A_455 = tpu.vector_load %arg6[%get3A_453, %get3A_454] {strides = array<i32>} : memref<200x128xf32, #tpu.memory_space<vmem>>, vector<1x16xf32>,
        %get3A_456 = vector.shape_cast %get3A_455 : vector<1x16xf32> to vector<16xf32>
        %add3A_457 = arith.addf %scan3A_365, %get3A_456 : vector<16xf32>
        %add3A_458 = arith.constant 1 : i32
        %add3A_459 = arith.addi %add3A_369, %add3A_458 : i32
        %get3A_460 = arith.index_cast %add3A_459 : i32 to index
        %get3A_461 = arith.constant 112 : index
        %get3A_462 = tpu.vector_load %arg6[%get3A_460, %get3A_461] {strides = array<i32>} : memref<200x128xf32, #tpu.memory_space<vmem>>, vector<1x16xf32>,
        %get3A_463 = vector.shape_cast %get3A_462 : vector<1x16xf32> to vector<16xf32>
        %add3A_464 = arith.addf %add3A_457, %get3A_463 : vector<16xf32>
        scf.yield %add3A_380, %add3A_392, %add3A_404, %add3A_416, %add3A_428, %add3A_440, %add3A_452, %add3A_464 : vector<16xf32>, vector<16xf32>, vector<16xf32>, vector<16xf32>, vector<16xf32>, vector<16xf32>, vector<16xf32>, vector<16xf32>
      }
      %scan3A_119 = arith.constant 25 : i32
      %swap3A = arith.index_cast %add3A_98 : i32 to index
      %swap3A_120 = arith.constant 0 : index
      %swap3A_121 = tpu.vector_load %arg7[%swap3A, %swap3A_120] {strides = array<i32>} : memref<128x128xf32, #tpu.memory_space<vmem>>, vector<1x16xf32>,
      %swap3A_122 = vector.shape_cast %swap3A_121 : vector<1x16xf32> to vector<16xf32>
      %swap3A_123 = vector.shape_cast %scan3A_118#0 : vector<16xf32> to vector<1x16xf32>
      tpu.vector_store %arg7[%swap3A, %swap3A_120], %swap3A_123 {strides = array<i32>} : memref<128x128xf32, #tpu.memory_space<vmem>>, vector<1x16xf32>,
      %swap3A_124 = arith.index_cast %add3A_98 : i32 to index
      %swap3A_125 = arith.constant 16 : index
      %swap3A_126 = tpu.vector_load %arg7[%swap3A_124, %swap3A_125] {strides = array<i32>} : memref<128x128xf32, #tpu.memory_space<vmem>>, vector<1x16xf32>,
      %swap3A_127 = vector.shape_cast %swap3A_126 : vector<1x16xf32> to vector<16xf32>
      %swap3A_128 = vector.shape_cast %scan3A_118#1 : vector<16xf32> to vector<1x16xf32>
      tpu.vector_store %arg7[%swap3A_124, %swap3A_125], %swap3A_128 {strides = array<i32>} : memref<128x128xf32, #tpu.memory_space<vmem>>, vector<1x16xf32>,
      %swap3A_129 = arith.index_cast %add3A_98 : i32 to index
      %swap3A_130 = arith.constant 32 : index
      %swap3A_131 = tpu.vector_load %arg7[%swap3A_129, %swap3A_130] {strides = array<i32>} : memref<128x128xf32, #tpu.memory_space<vmem>>, vector<1x16xf32>,
      %swap3A_132 = vector.shape_cast %swap3A_131 : vector<1x16xf32> to vector<16xf32>
      %swap3A_133 = vector.shape_cast %scan3A_118#2 : vector<16xf32> to vector<1x16xf32>
      tpu.vector_store %arg7[%swap3A_129, %swap3A_130], %swap3A_133 {strides = array<i32>} : memref<128x128xf32, #tpu.memory_space<vmem>>, vector<1x16xf32>,
      %swap3A_134 = arith.index_cast %add3A_98 : i32 to index
      %swap3A_135 = arith.constant 48 : index
      %swap3A_136 = tpu.vector_load %arg7[%swap3A_134, %swap3A_135] {strides = array<i32>} : memref<128x128xf32, #tpu.memory_space<vmem>>, vector<1x16xf32>,
      %swap3A_137 = vector.shape_cast %swap3A_136 : vector<1x16xf32> to vector<16xf32>
      %swap3A_138 = vector.shape_cast %scan3A_118#3 : vector<16xf32> to vector<1x16xf32>
      tpu.vector_store %arg7[%swap3A_134, %swap3A_135], %swap3A_138 {strides = array<i32>} : memref<128x128xf32, #tpu.memory_space<vmem>>, vector<1x16xf32>,
      %swap3A_139 = arith.index_cast %add3A_98 : i32 to index
      %swap3A_140 = arith.constant 64 : index
      %swap3A_141 = tpu.vector_load %arg7[%swap3A_139, %swap3A_140] {strides = array<i32>} : memref<128x128xf32, #tpu.memory_space<vmem>>, vector<1x16xf32>,
      %swap3A_142 = vector.shape_cast %swap3A_141 : vector<1x16xf32> to vector<16xf32>
      %swap3A_143 = vector.shape_cast %scan3A_118#4 : vector<16xf32> to vector<1x16xf32>
      tpu.vector_store %arg7[%swap3A_139, %swap3A_140], %swap3A_143 {strides = array<i32>} : memref<128x128xf32, #tpu.memory_space<vmem>>, vector<1x16xf32>,
      %swap3A_144 = arith.index_cast %add3A_98 : i32 to index
      %swap3A_145 = arith.constant 80 : index
      %swap3A_146 = tpu.vector_load %arg7[%swap3A_144, %swap3A_145] {strides = array<i32>} : memref<128x128xf32, #tpu.memory_space<vmem>>, vector<1x16xf32>,
      %swap3A_147 = vector.shape_cast %swap3A_146 : vector<1x16xf32> to vector<16xf32>
      %swap3A_148 = vector.shape_cast %scan3A_118#5 : vector<16xf32> to vector<1x16xf32>
      tpu.vector_store %arg7[%swap3A_144, %swap3A_145], %swap3A_148 {strides = array<i32>} : memref<128x128xf32, #tpu.memory_space<vmem>>, vector<1x16xf32>,
      %swap3A_149 = arith.index_cast %add3A_98 : i32 to index
      %swap3A_150 = arith.constant 96 : index
      %swap3A_151 = tpu.vector_load %arg7[%swap3A_149, %swap3A_150] {strides = array<i32>} : memref<128x128xf32, #tpu.memory_space<vmem>>, vector<1x16xf32>,
      %swap3A_152 = vector.shape_cast %swap3A_151 : vector<1x16xf32> to vector<16xf32>
      %swap3A_153 = vector.shape_cast %scan3A_118#6 : vector<16xf32> to vector<1x16xf32>
      tpu.vector_store %arg7[%swap3A_149, %swap3A_150], %swap3A_153 {strides = array<i32>} : memref<128x128xf32, #tpu.memory_space<vmem>>, vector<1x16xf32>,
      %swap3A_154 = arith.index_cast %add3A_98 : i32 to index
      %swap3A_155 = arith.constant 112 : index
      %swap3A_156 = tpu.vector_load %arg7[%swap3A_154, %swap3A_155] {strides = array<i32>} : memref<128x128xf32, #tpu.memory_space<vmem>>, vector<1x16xf32>,
      %swap3A_157 = vector.shape_cast %swap3A_156 : vector<1x16xf32> to vector<16xf32>
      %swap3A_158 = vector.shape_cast %scan3A_118#7 : vector<16xf32> to vector<1x16xf32>
      tpu.vector_store %arg7[%swap3A_154, %swap3A_155], %swap3A_158 {strides = array<i32>} : memref<128x128xf32, #tpu.memory_space<vmem>>, vector<1x16xf32>,
      %mul3A_159 = arith.constant 4 : i32
      %mul3A_160 = arith.muli %scan3A_8, %mul3A_159 : i32
      %add3A_161 = arith.constant 1 : i32
      %add3A_162 = arith.addi %mul3A_160, %add3A_161 : i32
      %broadcast_in_dim3A_163 = arith.constant 0.000000e+00 : f32
      %broadcast_in_dim3A_164 = vector.broadcast %broadcast_in_dim3A_163 : f32 to vector<16xf32>
      %broadcast_in_dim3A_165 = arith.constant 0.000000e+00 : f32
      %broadcast_in_dim3A_166 = vector.broadcast %broadcast_in_dim3A_165 : f32 to vector<16xf32>
      %broadcast_in_dim3A_167 = arith.constant 0.000000e+00 : f32
      %broadcast_in_dim3A_168 = vector.broadcast %broadcast_in_dim3A_167 : f32 to vector<16xf32>
      %broadcast_in_dim3A_169 = arith.constant 0.000000e+00 : f32
      %broadcast_in_dim3A_170 = vector.broadcast %broadcast_in_dim3A_169 : f32 to vector<16xf32>
      %broadcast_in_dim3A_171 = arith.constant 0.000000e+00 : f32
      %broadcast_in_dim3A_172 = vector.broadcast %broadcast_in_dim3A_171 : f32 to vector<16xf32>
      %broadcast_in_dim3A_173 = arith.constant 0.000000e+00 : f32
      %broadcast_in_dim3A_174 = vector.broadcast %broadcast_in_dim3A_173 : f32 to vector<16xf32>
      %broadcast_in_dim3A_175 = arith.constant 0.000000e+00 : f32
      %broadcast_in_dim3A_176 = vector.broadcast %broadcast_in_dim3A_175 : f32 to vector<16xf32>
      %broadcast_in_dim3A_177 = arith.constant 0.000000e+00 : f32
      %broadcast_in_dim3A_178 = vector.broadcast %broadcast_in_dim3A_177 : f32 to vector<16xf32>
      %scan3A_179 = arith.constant 0 : i32
      %scan3A_180 = arith.constant 25 : i32
      %scan3A_181 = arith.addi %scan3A_179, %scan3A_180 : i32
      %scan3A_182 = arith.constant 1 : i32
      %scan3A_183:8 = scf.for %scan3A_357 = %scan3A_179 to %scan3A_181 step %scan3A_182 iter_args(%scan3A_358 = %broadcast_in_dim3A_164, %scan3A_359 = %broadcast_in_dim3A_166, %scan3A_360 = %broadcast_in_dim3A_168, %scan3A_361 = %broadcast_in_dim3A_170, %scan3A_362 = %broadcast_in_dim3A_172, %scan3A_363 = %broadcast_in_dim3A_174, %scan3A_364 = %broadcast_in_dim3A_176, %scan3A_365 = %broadcast_in_dim3A_178) -> (vector<16xf32>, vector<16xf32>, vector<16xf32>, vector<16xf32>, vector<16xf32>, vector<16xf32>, vector<16xf32>, vector<16xf32>)  : i32 {
        %mul3A_366 = arith.constant 2 : i32
        %mul3A_367 = arith.muli %mul3A_366, %scan3A_357 : i32
        %add3A_368 = arith.constant 50 : i32
        %add3A_369 = arith.addi %add3A_368, %mul3A_367 : i32
        %get3A = arith.index_cast %add3A_369 : i32 to index
        %get3A_370 = arith.constant 0 : index
        %get3A_371 = tpu.vector_load %arg6[%get3A, %get3A_370] {strides = array<i32>} : memref<200x128xf32, #tpu.memory_space<vmem>>, vector<1x16xf32>,
        %get3A_372 = vector.shape_cast %get3A_371 : vector<1x16xf32> to vector<16xf32>
        %add3A_373 = arith.addf %scan3A_358, %get3A_372 : vector<16xf32>
        %add3A_374 = arith.constant 1 : i32
        %add3A_375 = arith.addi %add3A_369, %add3A_374 : i32
        %get3A_376 = arith.index_cast %add3A_375 : i32 to index
        %get3A_377 = arith.constant 0 : index
        %get3A_378 = tpu.vector_load %arg6[%get3A_376, %get3A_377] {strides = array<i32>} : memref<200x128xf32, #tpu.memory_space<vmem>>, vector<1x16xf32>,
        %get3A_379 = vector.shape_cast %get3A_378 : vector<1x16xf32> to vector<16xf32>
        %add3A_380 = arith.addf %add3A_373, %get3A_379 : vector<16xf32>
        %get3A_381 = arith.index_cast %add3A_369 : i32 to index
        %get3A_382 = arith.constant 16 : index
        %get3A_383 = tpu.vector_load %arg6[%get3A_381, %get3A_382] {strides = array<i32>} : memref<200x128xf32, #tpu.memory_space<vmem>>, vector<1x16xf32>,
        %get3A_384 = vector.shape_cast %get3A_383 : vector<1x16xf32> to vector<16xf32>
        %add3A_385 = arith.addf %scan3A_359, %get3A_384 : vector<16xf32>
        %add3A_386 = arith.constant 1 : i32
        %add3A_387 = arith.addi %add3A_369, %add3A_386 : i32
        %get3A_388 = arith.index_cast %add3A_387 : i32 to index
        %get3A_389 = arith.constant 16 : index
        %get3A_390 = tpu.vector_load %arg6[%get3A_388, %get3A_389] {strides = array<i32>} : memref<200x128xf32, #tpu.memory_space<vmem>>, vector<1x16xf32>,
        %get3A_391 = vector.shape_cast %get3A_390 : vector<1x16xf32> to vector<16xf32>
        %add3A_392 = arith.addf %add3A_385, %get3A_391 : vector<16xf32>
        %get3A_393 = arith.index_cast %add3A_369 : i32 to index
        %get3A_394 = arith.constant 32 : index
        %get3A_395 = tpu.vector_load %arg6[%get3A_393, %get3A_394] {strides = array<i32>} : memref<200x128xf32, #tpu.memory_space<vmem>>, vector<1x16xf32>,
        %get3A_396 = vector.shape_cast %get3A_395 : vector<1x16xf32> to vector<16xf32>
        %add3A_397 = arith.addf %scan3A_360, %get3A_396 : vector<16xf32>
        %add3A_398 = arith.constant 1 : i32
        %add3A_399 = arith.addi %add3A_369, %add3A_398 : i32
        %get3A_400 = arith.index_cast %add3A_399 : i32 to index
        %get3A_401 = arith.constant 32 : index
        %get3A_402 = tpu.vector_load %arg6[%get3A_400, %get3A_401] {strides = array<i32>} : memref<200x128xf32, #tpu.memory_space<vmem>>, vector<1x16xf32>,
        %get3A_403 = vector.shape_cast %get3A_402 : vector<1x16xf32> to vector<16xf32>
        %add3A_404 = arith.addf %add3A_397, %get3A_403 : vector<16xf32>
        %get3A_405 = arith.index_cast %add3A_369 : i32 to index
        %get3A_406 = arith.constant 48 : index
        %get3A_407 = tpu.vector_load %arg6[%get3A_405, %get3A_406] {strides = array<i32>} : memref<200x128xf32, #tpu.memory_space<vmem>>, vector<1x16xf32>,
        %get3A_408 = vector.shape_cast %get3A_407 : vector<1x16xf32> to vector<16xf32>
        %add3A_409 = arith.addf %scan3A_361, %get3A_408 : vector<16xf32>
        %add3A_410 = arith.constant 1 : i32
        %add3A_411 = arith.addi %add3A_369, %add3A_410 : i32
        %get3A_412 = arith.index_cast %add3A_411 : i32 to index
        %get3A_413 = arith.constant 48 : index
        %get3A_414 = tpu.vector_load %arg6[%get3A_412, %get3A_413] {strides = array<i32>} : memref<200x128xf32, #tpu.memory_space<vmem>>, vector<1x16xf32>,
        %get3A_415 = vector.shape_cast %get3A_414 : vector<1x16xf32> to vector<16xf32>
        %add3A_416 = arith.addf %add3A_409, %get3A_415 : vector<16xf32>
        %get3A_417 = arith.index_cast %add3A_369 : i32 to index
        %get3A_418 = arith.constant 64 : index
        %get3A_419 = tpu.vector_load %arg6[%get3A_417, %get3A_418] {strides = array<i32>} : memref<200x128xf32, #tpu.memory_space<vmem>>, vector<1x16xf32>,
        %get3A_420 = vector.shape_cast %get3A_419 : vector<1x16xf32> to vector<16xf32>
        %add3A_421 = arith.addf %scan3A_362, %get3A_420 : vector<16xf32>
        %add3A_422 = arith.constant 1 : i32
        %add3A_423 = arith.addi %add3A_369, %add3A_422 : i32
        %get3A_424 = arith.index_cast %add3A_423 : i32 to index
        %get3A_425 = arith.constant 64 : index
        %get3A_426 = tpu.vector_load %arg6[%get3A_424, %get3A_425] {strides = array<i32>} : memref<200x128xf32, #tpu.memory_space<vmem>>, vector<1x16xf32>,
        %get3A_427 = vector.shape_cast %get3A_426 : vector<1x16xf32> to vector<16xf32>
        %add3A_428 = arith.addf %add3A_421, %get3A_427 : vector<16xf32>
        %get3A_429 = arith.index_cast %add3A_369 : i32 to index
        %get3A_430 = arith.constant 80 : index
        %get3A_431 = tpu.vector_load %arg6[%get3A_429, %get3A_430] {strides = array<i32>} : memref<200x128xf32, #tpu.memory_space<vmem>>, vector<1x16xf32>,
        %get3A_432 = vector.shape_cast %get3A_431 : vector<1x16xf32> to vector<16xf32>
        %add3A_433 = arith.addf %scan3A_363, %get3A_432 : vector<16xf32>
        %add3A_434 = arith.constant 1 : i32
        %add3A_435 = arith.addi %add3A_369, %add3A_434 : i32
        %get3A_436 = arith.index_cast %add3A_435 : i32 to index
        %get3A_437 = arith.constant 80 : index
        %get3A_438 = tpu.vector_load %arg6[%get3A_436, %get3A_437] {strides = array<i32>} : memref<200x128xf32, #tpu.memory_space<vmem>>, vector<1x16xf32>,
        %get3A_439 = vector.shape_cast %get3A_438 : vector<1x16xf32> to vector<16xf32>
        %add3A_440 = arith.addf %add3A_433, %get3A_439 : vector<16xf32>
        %get3A_441 = arith.index_cast %add3A_369 : i32 to index
        %get3A_442 = arith.constant 96 : index
        %get3A_443 = tpu.vector_load %arg6[%get3A_441, %get3A_442] {strides = array<i32>} : memref<200x128xf32, #tpu.memory_space<vmem>>, vector<1x16xf32>,
        %get3A_444 = vector.shape_cast %get3A_443 : vector<1x16xf32> to vector<16xf32>
        %add3A_445 = arith.addf %scan3A_364, %get3A_444 : vector<16xf32>
        %add3A_446 = arith.constant 1 : i32
        %add3A_447 = arith.addi %add3A_369, %add3A_446 : i32
        %get3A_448 = arith.index_cast %add3A_447 : i32 to index
        %get3A_449 = arith.constant 96 : index
        %get3A_450 = tpu.vector_load %arg6[%get3A_448, %get3A_449] {strides = array<i32>} : memref<200x128xf32, #tpu.memory_space<vmem>>, vector<1x16xf32>,
        %get3A_451 = vector.shape_cast %get3A_450 : vector<1x16xf32> to vector<16xf32>
        %add3A_452 = arith.addf %add3A_445, %get3A_451 : vector<16xf32>
        %get3A_453 = arith.index_cast %add3A_369 : i32 to index
        %get3A_454 = arith.constant 112 : index
        %get3A_455 = tpu.vector_load %arg6[%get3A_453, %get3A_454] {strides = array<i32>} : memref<200x128xf32, #tpu.memory_space<vmem>>, vector<1x16xf32>,
        %get3A_456 = vector.shape_cast %get3A_455 : vector<1x16xf32> to vector<16xf32>
        %add3A_457 = arith.addf %scan3A_365, %get3A_456 : vector<16xf32>
        %add3A_458 = arith.constant 1 : i32
        %add3A_459 = arith.addi %add3A_369, %add3A_458 : i32
        %get3A_460 = arith.index_cast %add3A_459 : i32 to index
        %get3A_461 = arith.constant 112 : index
        %get3A_462 = tpu.vector_load %arg6[%get3A_460, %get3A_461] {strides = array<i32>} : memref<200x128xf32, #tpu.memory_space<vmem>>, vector<1x16xf32>,
        %get3A_463 = vector.shape_cast %get3A_462 : vector<1x16xf32> to vector<16xf32>
        %add3A_464 = arith.addf %add3A_457, %get3A_463 : vector<16xf32>
        scf.yield %add3A_380, %add3A_392, %add3A_404, %add3A_416, %add3A_428, %add3A_440, %add3A_452, %add3A_464 : vector<16xf32>, vector<16xf32>, vector<16xf32>, vector<16xf32>, vector<16xf32>, vector<16xf32>, vector<16xf32>, vector<16xf32>
      }
      %scan3A_184 = arith.constant 25 : i32
      %swap3A_185 = arith.index_cast %add3A_162 : i32 to index
      %swap3A_186 = arith.constant 0 : index
      %swap3A_187 = tpu.vector_load %arg7[%swap3A_185, %swap3A_186] {strides = array<i32>} : memref<128x128xf32, #tpu.memory_space<vmem>>, vector<1x16xf32>,
      %swap3A_188 = vector.shape_cast %swap3A_187 : vector<1x16xf32> to vector<16xf32>
      %swap3A_189 = vector.shape_cast %scan3A_183#0 : vector<16xf32> to vector<1x16xf32>
      tpu.vector_store %arg7[%swap3A_185, %swap3A_186], %swap3A_189 {strides = array<i32>} : memref<128x128xf32, #tpu.memory_space<vmem>>, vector<1x16xf32>,
      %swap3A_190 = arith.index_cast %add3A_162 : i32 to index
      %swap3A_191 = arith.constant 16 : index
      %swap3A_192 = tpu.vector_load %arg7[%swap3A_190, %swap3A_191] {strides = array<i32>} : memref<128x128xf32, #tpu.memory_space<vmem>>, vector<1x16xf32>,
      %swap3A_193 = vector.shape_cast %swap3A_192 : vector<1x16xf32> to vector<16xf32>
      %swap3A_194 = vector.shape_cast %scan3A_183#1 : vector<16xf32> to vector<1x16xf32>
      tpu.vector_store %arg7[%swap3A_190, %swap3A_191], %swap3A_194 {strides = array<i32>} : memref<128x128xf32, #tpu.memory_space<vmem>>, vector<1x16xf32>,
      %swap3A_195 = arith.index_cast %add3A_162 : i32 to index
      %swap3A_196 = arith.constant 32 : index
      %swap3A_197 = tpu.vector_load %arg7[%swap3A_195, %swap3A_196] {strides = array<i32>} : memref<128x128xf32, #tpu.memory_space<vmem>>, vector<1x16xf32>,
      %swap3A_198 = vector.shape_cast %swap3A_197 : vector<1x16xf32> to vector<16xf32>
      %swap3A_199 = vector.shape_cast %scan3A_183#2 : vector<16xf32> to vector<1x16xf32>
      tpu.vector_store %arg7[%swap3A_195, %swap3A_196], %swap3A_199 {strides = array<i32>} : memref<128x128xf32, #tpu.memory_space<vmem>>, vector<1x16xf32>,
      %swap3A_200 = arith.index_cast %add3A_162 : i32 to index
      %swap3A_201 = arith.constant 48 : index
      %swap3A_202 = tpu.vector_load %arg7[%swap3A_200, %swap3A_201] {strides = array<i32>} : memref<128x128xf32, #tpu.memory_space<vmem>>, vector<1x16xf32>,
      %swap3A_203 = vector.shape_cast %swap3A_202 : vector<1x16xf32> to vector<16xf32>
      %swap3A_204 = vector.shape_cast %scan3A_183#3 : vector<16xf32> to vector<1x16xf32>
      tpu.vector_store %arg7[%swap3A_200, %swap3A_201], %swap3A_204 {strides = array<i32>} : memref<128x128xf32, #tpu.memory_space<vmem>>, vector<1x16xf32>,
      %swap3A_205 = arith.index_cast %add3A_162 : i32 to index
      %swap3A_206 = arith.constant 64 : index
      %swap3A_207 = tpu.vector_load %arg7[%swap3A_205, %swap3A_206] {strides = array<i32>} : memref<128x128xf32, #tpu.memory_space<vmem>>, vector<1x16xf32>,
      %swap3A_208 = vector.shape_cast %swap3A_207 : vector<1x16xf32> to vector<16xf32>
      %swap3A_209 = vector.shape_cast %scan3A_183#4 : vector<16xf32> to vector<1x16xf32>
      tpu.vector_store %arg7[%swap3A_205, %swap3A_206], %swap3A_209 {strides = array<i32>} : memref<128x128xf32, #tpu.memory_space<vmem>>, vector<1x16xf32>,
      %swap3A_210 = arith.index_cast %add3A_162 : i32 to index
      %swap3A_211 = arith.constant 80 : index
      %swap3A_212 = tpu.vector_load %arg7[%swap3A_210, %swap3A_211] {strides = array<i32>} : memref<128x128xf32, #tpu.memory_space<vmem>>, vector<1x16xf32>,
      %swap3A_213 = vector.shape_cast %swap3A_212 : vector<1x16xf32> to vector<16xf32>
      %swap3A_214 = vector.shape_cast %scan3A_183#5 : vector<16xf32> to vector<1x16xf32>
      tpu.vector_store %arg7[%swap3A_210, %swap3A_211], %swap3A_214 {strides = array<i32>} : memref<128x128xf32, #tpu.memory_space<vmem>>, vector<1x16xf32>,
      %swap3A_215 = arith.index_cast %add3A_162 : i32 to index
      %swap3A_216 = arith.constant 96 : index
      %swap3A_217 = tpu.vector_load %arg7[%swap3A_215, %swap3A_216] {strides = array<i32>} : memref<128x128xf32, #tpu.memory_space<vmem>>, vector<1x16xf32>,
      %swap3A_218 = vector.shape_cast %swap3A_217 : vector<1x16xf32> to vector<16xf32>
      %swap3A_219 = vector.shape_cast %scan3A_183#6 : vector<16xf32> to vector<1x16xf32>
      tpu.vector_store %arg7[%swap3A_215, %swap3A_216], %swap3A_219 {strides = array<i32>} : memref<128x128xf32, #tpu.memory_space<vmem>>, vector<1x16xf32>,
      %swap3A_220 = arith.index_cast %add3A_162 : i32 to index
      %swap3A_221 = arith.constant 112 : index
      %swap3A_222 = tpu.vector_load %arg7[%swap3A_220, %swap3A_221] {strides = array<i32>} : memref<128x128xf32, #tpu.memory_space<vmem>>, vector<1x16xf32>,
      %swap3A_223 = vector.shape_cast %swap3A_222 : vector<1x16xf32> to vector<16xf32>
      %swap3A_224 = vector.shape_cast %scan3A_183#7 : vector<16xf32> to vector<1x16xf32>
      tpu.vector_store %arg7[%swap3A_220, %swap3A_221], %swap3A_224 {strides = array<i32>} : memref<128x128xf32, #tpu.memory_space<vmem>>, vector<1x16xf32>,
      %mul3A_225 = arith.constant 4 : i32
      %mul3A_226 = arith.muli %scan3A_8, %mul3A_225 : i32
      %add3A_227 = arith.constant 2 : i32
      %add3A_228 = arith.addi %mul3A_226, %add3A_227 : i32
      %broadcast_in_dim3A_229 = arith.constant 0.000000e+00 : f32
      %broadcast_in_dim3A_230 = vector.broadcast %broadcast_in_dim3A_229 : f32 to vector<16xf32>
      %broadcast_in_dim3A_231 = arith.constant 0.000000e+00 : f32
      %broadcast_in_dim3A_232 = vector.broadcast %broadcast_in_dim3A_231 : f32 to vector<16xf32>
      %broadcast_in_dim3A_233 = arith.constant 0.000000e+00 : f32
      %broadcast_in_dim3A_234 = vector.broadcast %broadcast_in_dim3A_233 : f32 to vector<16xf32>
      %broadcast_in_dim3A_235 = arith.constant 0.000000e+00 : f32
      %broadcast_in_dim3A_236 = vector.broadcast %broadcast_in_dim3A_235 : f32 to vector<16xf32>
      %broadcast_in_dim3A_237 = arith.constant 0.000000e+00 : f32
      %broadcast_in_dim3A_238 = vector.broadcast %broadcast_in_dim3A_237 : f32 to vector<16xf32>
      %broadcast_in_dim3A_239 = arith.constant 0.000000e+00 : f32
      %broadcast_in_dim3A_240 = vector.broadcast %broadcast_in_dim3A_239 : f32 to vector<16xf32>
      %broadcast_in_dim3A_241 = arith.constant 0.000000e+00 : f32
      %broadcast_in_dim3A_242 = vector.broadcast %broadcast_in_dim3A_241 : f32 to vector<16xf32>
      %broadcast_in_dim3A_243 = arith.constant 0.000000e+00 : f32
      %broadcast_in_dim3A_244 = vector.broadcast %broadcast_in_dim3A_243 : f32 to vector<16xf32>
      %scan3A_245 = arith.constant 0 : i32
      %scan3A_246 = arith.constant 25 : i32
      %scan3A_247 = arith.addi %scan3A_245, %scan3A_246 : i32
      %scan3A_248 = arith.constant 1 : i32
      %scan3A_249:8 = scf.for %scan3A_357 = %scan3A_245 to %scan3A_247 step %scan3A_248 iter_args(%scan3A_358 = %broadcast_in_dim3A_230, %scan3A_359 = %broadcast_in_dim3A_232, %scan3A_360 = %broadcast_in_dim3A_234, %scan3A_361 = %broadcast_in_dim3A_236, %scan3A_362 = %broadcast_in_dim3A_238, %scan3A_363 = %broadcast_in_dim3A_240, %scan3A_364 = %broadcast_in_dim3A_242, %scan3A_365 = %broadcast_in_dim3A_244) -> (vector<16xf32>, vector<16xf32>, vector<16xf32>, vector<16xf32>, vector<16xf32>, vector<16xf32>, vector<16xf32>, vector<16xf32>)  : i32 {
        %mul3A_366 = arith.constant 2 : i32
        %mul3A_367 = arith.muli %mul3A_366, %scan3A_357 : i32
        %add3A_368 = arith.constant 100 : i32
        %add3A_369 = arith.addi %add3A_368, %mul3A_367 : i32
        %get3A = arith.index_cast %add3A_369 : i32 to index
        %get3A_370 = arith.constant 0 : index
        %get3A_371 = tpu.vector_load %arg6[%get3A, %get3A_370] {strides = array<i32>} : memref<200x128xf32, #tpu.memory_space<vmem>>, vector<1x16xf32>,
        %get3A_372 = vector.shape_cast %get3A_371 : vector<1x16xf32> to vector<16xf32>
        %add3A_373 = arith.addf %scan3A_358, %get3A_372 : vector<16xf32>
        %add3A_374 = arith.constant 1 : i32
        %add3A_375 = arith.addi %add3A_369, %add3A_374 : i32
        %get3A_376 = arith.index_cast %add3A_375 : i32 to index
        %get3A_377 = arith.constant 0 : index
        %get3A_378 = tpu.vector_load %arg6[%get3A_376, %get3A_377] {strides = array<i32>} : memref<200x128xf32, #tpu.memory_space<vmem>>, vector<1x16xf32>,
        %get3A_379 = vector.shape_cast %get3A_378 : vector<1x16xf32> to vector<16xf32>
        %add3A_380 = arith.addf %add3A_373, %get3A_379 : vector<16xf32>
        %get3A_381 = arith.index_cast %add3A_369 : i32 to index
        %get3A_382 = arith.constant 16 : index
        %get3A_383 = tpu.vector_load %arg6[%get3A_381, %get3A_382] {strides = array<i32>} : memref<200x128xf32, #tpu.memory_space<vmem>>, vector<1x16xf32>,
        %get3A_384 = vector.shape_cast %get3A_383 : vector<1x16xf32> to vector<16xf32>
        %add3A_385 = arith.addf %scan3A_359, %get3A_384 : vector<16xf32>
        %add3A_386 = arith.constant 1 : i32
        %add3A_387 = arith.addi %add3A_369, %add3A_386 : i32
        %get3A_388 = arith.index_cast %add3A_387 : i32 to index
        %get3A_389 = arith.constant 16 : index
        %get3A_390 = tpu.vector_load %arg6[%get3A_388, %get3A_389] {strides = array<i32>} : memref<200x128xf32, #tpu.memory_space<vmem>>, vector<1x16xf32>,
        %get3A_391 = vector.shape_cast %get3A_390 : vector<1x16xf32> to vector<16xf32>
        %add3A_392 = arith.addf %add3A_385, %get3A_391 : vector<16xf32>
        %get3A_393 = arith.index_cast %add3A_369 : i32 to index
        %get3A_394 = arith.constant 32 : index
        %get3A_395 = tpu.vector_load %arg6[%get3A_393, %get3A_394] {strides = array<i32>} : memref<200x128xf32, #tpu.memory_space<vmem>>, vector<1x16xf32>,
        %get3A_396 = vector.shape_cast %get3A_395 : vector<1x16xf32> to vector<16xf32>
        %add3A_397 = arith.addf %scan3A_360, %get3A_396 : vector<16xf32>
        %add3A_398 = arith.constant 1 : i32
        %add3A_399 = arith.addi %add3A_369, %add3A_398 : i32
        %get3A_400 = arith.index_cast %add3A_399 : i32 to index
        %get3A_401 = arith.constant 32 : index
        %get3A_402 = tpu.vector_load %arg6[%get3A_400, %get3A_401] {strides = array<i32>} : memref<200x128xf32, #tpu.memory_space<vmem>>, vector<1x16xf32>,
        %get3A_403 = vector.shape_cast %get3A_402 : vector<1x16xf32> to vector<16xf32>
        %add3A_404 = arith.addf %add3A_397, %get3A_403 : vector<16xf32>
        %get3A_405 = arith.index_cast %add3A_369 : i32 to index
        %get3A_406 = arith.constant 48 : index
        %get3A_407 = tpu.vector_load %arg6[%get3A_405, %get3A_406] {strides = array<i32>} : memref<200x128xf32, #tpu.memory_space<vmem>>, vector<1x16xf32>,
        %get3A_408 = vector.shape_cast %get3A_407 : vector<1x16xf32> to vector<16xf32>
        %add3A_409 = arith.addf %scan3A_361, %get3A_408 : vector<16xf32>
        %add3A_410 = arith.constant 1 : i32
        %add3A_411 = arith.addi %add3A_369, %add3A_410 : i32
        %get3A_412 = arith.index_cast %add3A_411 : i32 to index
        %get3A_413 = arith.constant 48 : index
        %get3A_414 = tpu.vector_load %arg6[%get3A_412, %get3A_413] {strides = array<i32>} : memref<200x128xf32, #tpu.memory_space<vmem>>, vector<1x16xf32>,
        %get3A_415 = vector.shape_cast %get3A_414 : vector<1x16xf32> to vector<16xf32>
        %add3A_416 = arith.addf %add3A_409, %get3A_415 : vector<16xf32>
        %get3A_417 = arith.index_cast %add3A_369 : i32 to index
        %get3A_418 = arith.constant 64 : index
        %get3A_419 = tpu.vector_load %arg6[%get3A_417, %get3A_418] {strides = array<i32>} : memref<200x128xf32, #tpu.memory_space<vmem>>, vector<1x16xf32>,
        %get3A_420 = vector.shape_cast %get3A_419 : vector<1x16xf32> to vector<16xf32>
        %add3A_421 = arith.addf %scan3A_362, %get3A_420 : vector<16xf32>
        %add3A_422 = arith.constant 1 : i32
        %add3A_423 = arith.addi %add3A_369, %add3A_422 : i32
        %get3A_424 = arith.index_cast %add3A_423 : i32 to index
        %get3A_425 = arith.constant 64 : index
        %get3A_426 = tpu.vector_load %arg6[%get3A_424, %get3A_425] {strides = array<i32>} : memref<200x128xf32, #tpu.memory_space<vmem>>, vector<1x16xf32>,
        %get3A_427 = vector.shape_cast %get3A_426 : vector<1x16xf32> to vector<16xf32>
        %add3A_428 = arith.addf %add3A_421, %get3A_427 : vector<16xf32>
        %get3A_429 = arith.index_cast %add3A_369 : i32 to index
        %get3A_430 = arith.constant 80 : index
        %get3A_431 = tpu.vector_load %arg6[%get3A_429, %get3A_430] {strides = array<i32>} : memref<200x128xf32, #tpu.memory_space<vmem>>, vector<1x16xf32>,
        %get3A_432 = vector.shape_cast %get3A_431 : vector<1x16xf32> to vector<16xf32>
        %add3A_433 = arith.addf %scan3A_363, %get3A_432 : vector<16xf32>
        %add3A_434 = arith.constant 1 : i32
        %add3A_435 = arith.addi %add3A_369, %add3A_434 : i32
        %get3A_436 = arith.index_cast %add3A_435 : i32 to index
        %get3A_437 = arith.constant 80 : index
        %get3A_438 = tpu.vector_load %arg6[%get3A_436, %get3A_437] {strides = array<i32>} : memref<200x128xf32, #tpu.memory_space<vmem>>, vector<1x16xf32>,
        %get3A_439 = vector.shape_cast %get3A_438 : vector<1x16xf32> to vector<16xf32>
        %add3A_440 = arith.addf %add3A_433, %get3A_439 : vector<16xf32>
        %get3A_441 = arith.index_cast %add3A_369 : i32 to index
        %get3A_442 = arith.constant 96 : index
        %get3A_443 = tpu.vector_load %arg6[%get3A_441, %get3A_442] {strides = array<i32>} : memref<200x128xf32, #tpu.memory_space<vmem>>, vector<1x16xf32>,
        %get3A_444 = vector.shape_cast %get3A_443 : vector<1x16xf32> to vector<16xf32>
        %add3A_445 = arith.addf %scan3A_364, %get3A_444 : vector<16xf32>
        %add3A_446 = arith.constant 1 : i32
        %add3A_447 = arith.addi %add3A_369, %add3A_446 : i32
        %get3A_448 = arith.index_cast %add3A_447 : i32 to index
        %get3A_449 = arith.constant 96 : index
        %get3A_450 = tpu.vector_load %arg6[%get3A_448, %get3A_449] {strides = array<i32>} : memref<200x128xf32, #tpu.memory_space<vmem>>, vector<1x16xf32>,
        %get3A_451 = vector.shape_cast %get3A_450 : vector<1x16xf32> to vector<16xf32>
        %add3A_452 = arith.addf %add3A_445, %get3A_451 : vector<16xf32>
        %get3A_453 = arith.index_cast %add3A_369 : i32 to index
        %get3A_454 = arith.constant 112 : index
        %get3A_455 = tpu.vector_load %arg6[%get3A_453, %get3A_454] {strides = array<i32>} : memref<200x128xf32, #tpu.memory_space<vmem>>, vector<1x16xf32>,
        %get3A_456 = vector.shape_cast %get3A_455 : vector<1x16xf32> to vector<16xf32>
        %add3A_457 = arith.addf %scan3A_365, %get3A_456 : vector<16xf32>
        %add3A_458 = arith.constant 1 : i32
        %add3A_459 = arith.addi %add3A_369, %add3A_458 : i32
        %get3A_460 = arith.index_cast %add3A_459 : i32 to index
        %get3A_461 = arith.constant 112 : index
        %get3A_462 = tpu.vector_load %arg6[%get3A_460, %get3A_461] {strides = array<i32>} : memref<200x128xf32, #tpu.memory_space<vmem>>, vector<1x16xf32>,
        %get3A_463 = vector.shape_cast %get3A_462 : vector<1x16xf32> to vector<16xf32>
        %add3A_464 = arith.addf %add3A_457, %get3A_463 : vector<16xf32>
        scf.yield %add3A_380, %add3A_392, %add3A_404, %add3A_416, %add3A_428, %add3A_440, %add3A_452, %add3A_464 : vector<16xf32>, vector<16xf32>, vector<16xf32>, vector<16xf32>, vector<16xf32>, vector<16xf32>, vector<16xf32>, vector<16xf32>
      }
      %scan3A_250 = arith.constant 25 : i32
      %swap3A_251 = arith.index_cast %add3A_228 : i32 to index
      %swap3A_252 = arith.constant 0 : index
      %swap3A_253 = tpu.vector_load %arg7[%swap3A_251, %swap3A_252] {strides = array<i32>} : memref<128x128xf32, #tpu.memory_space<vmem>>, vector<1x16xf32>,
      %swap3A_254 = vector.shape_cast %swap3A_253 : vector<1x16xf32> to vector<16xf32>
      %swap3A_255 = vector.shape_cast %scan3A_249#0 : vector<16xf32> to vector<1x16xf32>
      tpu.vector_store %arg7[%swap3A_251, %swap3A_252], %swap3A_255 {strides = array<i32>} : memref<128x128xf32, #tpu.memory_space<vmem>>, vector<1x16xf32>,
      %swap3A_256 = arith.index_cast %add3A_228 : i32 to index
      %swap3A_257 = arith.constant 16 : index
      %swap3A_258 = tpu.vector_load %arg7[%swap3A_256, %swap3A_257] {strides = array<i32>} : memref<128x128xf32, #tpu.memory_space<vmem>>, vector<1x16xf32>,
      %swap3A_259 = vector.shape_cast %swap3A_258 : vector<1x16xf32> to vector<16xf32>
      %swap3A_260 = vector.shape_cast %scan3A_249#1 : vector<16xf32> to vector<1x16xf32>
      tpu.vector_store %arg7[%swap3A_256, %swap3A_257], %swap3A_260 {strides = array<i32>} : memref<128x128xf32, #tpu.memory_space<vmem>>, vector<1x16xf32>,
      %swap3A_261 = arith.index_cast %add3A_228 : i32 to index
      %swap3A_262 = arith.constant 32 : index
      %swap3A_263 = tpu.vector_load %arg7[%swap3A_261, %swap3A_262] {strides = array<i32>} : memref<128x128xf32, #tpu.memory_space<vmem>>, vector<1x16xf32>,
      %swap3A_264 = vector.shape_cast %swap3A_263 : vector<1x16xf32> to vector<16xf32>
      %swap3A_265 = vector.shape_cast %scan3A_249#2 : vector<16xf32> to vector<1x16xf32>
      tpu.vector_store %arg7[%swap3A_261, %swap3A_262], %swap3A_265 {strides = array<i32>} : memref<128x128xf32, #tpu.memory_space<vmem>>, vector<1x16xf32>,
      %swap3A_266 = arith.index_cast %add3A_228 : i32 to index
      %swap3A_267 = arith.constant 48 : index
      %swap3A_268 = tpu.vector_load %arg7[%swap3A_266, %swap3A_267] {strides = array<i32>} : memref<128x128xf32, #tpu.memory_space<vmem>>, vector<1x16xf32>,
      %swap3A_269 = vector.shape_cast %swap3A_268 : vector<1x16xf32> to vector<16xf32>
      %swap3A_270 = vector.shape_cast %scan3A_249#3 : vector<16xf32> to vector<1x16xf32>
      tpu.vector_store %arg7[%swap3A_266, %swap3A_267], %swap3A_270 {strides = array<i32>} : memref<128x128xf32, #tpu.memory_space<vmem>>, vector<1x16xf32>,
      %swap3A_271 = arith.index_cast %add3A_228 : i32 to index
      %swap3A_272 = arith.constant 64 : index
      %swap3A_273 = tpu.vector_load %arg7[%swap3A_271, %swap3A_272] {strides = array<i32>} : memref<128x128xf32, #tpu.memory_space<vmem>>, vector<1x16xf32>,
      %swap3A_274 = vector.shape_cast %swap3A_273 : vector<1x16xf32> to vector<16xf32>
      %swap3A_275 = vector.shape_cast %scan3A_249#4 : vector<16xf32> to vector<1x16xf32>
      tpu.vector_store %arg7[%swap3A_271, %swap3A_272], %swap3A_275 {strides = array<i32>} : memref<128x128xf32, #tpu.memory_space<vmem>>, vector<1x16xf32>,
      %swap3A_276 = arith.index_cast %add3A_228 : i32 to index
      %swap3A_277 = arith.constant 80 : index
      %swap3A_278 = tpu.vector_load %arg7[%swap3A_276, %swap3A_277] {strides = array<i32>} : memref<128x128xf32, #tpu.memory_space<vmem>>, vector<1x16xf32>,
      %swap3A_279 = vector.shape_cast %swap3A_278 : vector<1x16xf32> to vector<16xf32>
      %swap3A_280 = vector.shape_cast %scan3A_249#5 : vector<16xf32> to vector<1x16xf32>
      tpu.vector_store %arg7[%swap3A_276, %swap3A_277], %swap3A_280 {strides = array<i32>} : memref<128x128xf32, #tpu.memory_space<vmem>>, vector<1x16xf32>,
      %swap3A_281 = arith.index_cast %add3A_228 : i32 to index
      %swap3A_282 = arith.constant 96 : index
      %swap3A_283 = tpu.vector_load %arg7[%swap3A_281, %swap3A_282] {strides = array<i32>} : memref<128x128xf32, #tpu.memory_space<vmem>>, vector<1x16xf32>,
      %swap3A_284 = vector.shape_cast %swap3A_283 : vector<1x16xf32> to vector<16xf32>
      %swap3A_285 = vector.shape_cast %scan3A_249#6 : vector<16xf32> to vector<1x16xf32>
      tpu.vector_store %arg7[%swap3A_281, %swap3A_282], %swap3A_285 {strides = array<i32>} : memref<128x128xf32, #tpu.memory_space<vmem>>, vector<1x16xf32>,
      %swap3A_286 = arith.index_cast %add3A_228 : i32 to index
      %swap3A_287 = arith.constant 112 : index
      %swap3A_288 = tpu.vector_load %arg7[%swap3A_286, %swap3A_287] {strides = array<i32>} : memref<128x128xf32, #tpu.memory_space<vmem>>, vector<1x16xf32>,
      %swap3A_289 = vector.shape_cast %swap3A_288 : vector<1x16xf32> to vector<16xf32>
      %swap3A_290 = vector.shape_cast %scan3A_249#7 : vector<16xf32> to vector<1x16xf32>
      tpu.vector_store %arg7[%swap3A_286, %swap3A_287], %swap3A_290 {strides = array<i32>} : memref<128x128xf32, #tpu.memory_space<vmem>>, vector<1x16xf32>,
      %mul3A_291 = arith.constant 4 : i32
      %mul3A_292 = arith.muli %scan3A_8, %mul3A_291 : i32
      %add3A_293 = arith.constant 3 : i32
      %add3A_294 = arith.addi %mul3A_292, %add3A_293 : i32
      %broadcast_in_dim3A_295 = arith.constant 0.000000e+00 : f32
      %broadcast_in_dim3A_296 = vector.broadcast %broadcast_in_dim3A_295 : f32 to vector<16xf32>
      %broadcast_in_dim3A_297 = arith.constant 0.000000e+00 : f32
      %broadcast_in_dim3A_298 = vector.broadcast %broadcast_in_dim3A_297 : f32 to vector<16xf32>
      %broadcast_in_dim3A_299 = arith.constant 0.000000e+00 : f32
      %broadcast_in_dim3A_300 = vector.broadcast %broadcast_in_dim3A_299 : f32 to vector<16xf32>
      %broadcast_in_dim3A_301 = arith.constant 0.000000e+00 : f32
      %broadcast_in_dim3A_302 = vector.broadcast %broadcast_in_dim3A_301 : f32 to vector<16xf32>
      %broadcast_in_dim3A_303 = arith.constant 0.000000e+00 : f32
      %broadcast_in_dim3A_304 = vector.broadcast %broadcast_in_dim3A_303 : f32 to vector<16xf32>
      %broadcast_in_dim3A_305 = arith.constant 0.000000e+00 : f32
      %broadcast_in_dim3A_306 = vector.broadcast %broadcast_in_dim3A_305 : f32 to vector<16xf32>
      %broadcast_in_dim3A_307 = arith.constant 0.000000e+00 : f32
      %broadcast_in_dim3A_308 = vector.broadcast %broadcast_in_dim3A_307 : f32 to vector<16xf32>
      %broadcast_in_dim3A_309 = arith.constant 0.000000e+00 : f32
      %broadcast_in_dim3A_310 = vector.broadcast %broadcast_in_dim3A_309 : f32 to vector<16xf32>
      %scan3A_311 = arith.constant 0 : i32
      %scan3A_312 = arith.constant 25 : i32
      %scan3A_313 = arith.addi %scan3A_311, %scan3A_312 : i32
      %scan3A_314 = arith.constant 1 : i32
      %scan3A_315:8 = scf.for %scan3A_357 = %scan3A_311 to %scan3A_313 step %scan3A_314 iter_args(%scan3A_358 = %broadcast_in_dim3A_296, %scan3A_359 = %broadcast_in_dim3A_298, %scan3A_360 = %broadcast_in_dim3A_300, %scan3A_361 = %broadcast_in_dim3A_302, %scan3A_362 = %broadcast_in_dim3A_304, %scan3A_363 = %broadcast_in_dim3A_306, %scan3A_364 = %broadcast_in_dim3A_308, %scan3A_365 = %broadcast_in_dim3A_310) -> (vector<16xf32>, vector<16xf32>, vector<16xf32>, vector<16xf32>, vector<16xf32>, vector<16xf32>, vector<16xf32>, vector<16xf32>)  : i32 {
        %mul3A_366 = arith.constant 2 : i32
        %mul3A_367 = arith.muli %mul3A_366, %scan3A_357 : i32
        %add3A_368 = arith.constant 150 : i32
        %add3A_369 = arith.addi %add3A_368, %mul3A_367 : i32
        %get3A = arith.index_cast %add3A_369 : i32 to index
        %get3A_370 = arith.constant 0 : index
        %get3A_371 = tpu.vector_load %arg6[%get3A, %get3A_370] {strides = array<i32>} : memref<200x128xf32, #tpu.memory_space<vmem>>, vector<1x16xf32>,
        %get3A_372 = vector.shape_cast %get3A_371 : vector<1x16xf32> to vector<16xf32>
        %add3A_373 = arith.addf %scan3A_358, %get3A_372 : vector<16xf32>
        %add3A_374 = arith.constant 1 : i32
        %add3A_375 = arith.addi %add3A_369, %add3A_374 : i32
        %get3A_376 = arith.index_cast %add3A_375 : i32 to index
        %get3A_377 = arith.constant 0 : index
        %get3A_378 = tpu.vector_load %arg6[%get3A_376, %get3A_377] {strides = array<i32>} : memref<200x128xf32, #tpu.memory_space<vmem>>, vector<1x16xf32>,
        %get3A_379 = vector.shape_cast %get3A_378 : vector<1x16xf32> to vector<16xf32>
        %add3A_380 = arith.addf %add3A_373, %get3A_379 : vector<16xf32>
        %get3A_381 = arith.index_cast %add3A_369 : i32 to index
        %get3A_382 = arith.constant 16 : index
        %get3A_383 = tpu.vector_load %arg6[%get3A_381, %get3A_382] {strides = array<i32>} : memref<200x128xf32, #tpu.memory_space<vmem>>, vector<1x16xf32>,
        %get3A_384 = vector.shape_cast %get3A_383 : vector<1x16xf32> to vector<16xf32>
        %add3A_385 = arith.addf %scan3A_359, %get3A_384 : vector<16xf32>
        %add3A_386 = arith.constant 1 : i32
        %add3A_387 = arith.addi %add3A_369, %add3A_386 : i32
        %get3A_388 = arith.index_cast %add3A_387 : i32 to index
        %get3A_389 = arith.constant 16 : index
        %get3A_390 = tpu.vector_load %arg6[%get3A_388, %get3A_389] {strides = array<i32>} : memref<200x128xf32, #tpu.memory_space<vmem>>, vector<1x16xf32>,
        %get3A_391 = vector.shape_cast %get3A_390 : vector<1x16xf32> to vector<16xf32>
        %add3A_392 = arith.addf %add3A_385, %get3A_391 : vector<16xf32>
        %get3A_393 = arith.index_cast %add3A_369 : i32 to index
        %get3A_394 = arith.constant 32 : index
        %get3A_395 = tpu.vector_load %arg6[%get3A_393, %get3A_394] {strides = array<i32>} : memref<200x128xf32, #tpu.memory_space<vmem>>, vector<1x16xf32>,
        %get3A_396 = vector.shape_cast %get3A_395 : vector<1x16xf32> to vector<16xf32>
        %add3A_397 = arith.addf %scan3A_360, %get3A_396 : vector<16xf32>
        %add3A_398 = arith.constant 1 : i32
        %add3A_399 = arith.addi %add3A_369, %add3A_398 : i32
        %get3A_400 = arith.index_cast %add3A_399 : i32 to index
        %get3A_401 = arith.constant 32 : index
        %get3A_402 = tpu.vector_load %arg6[%get3A_400, %get3A_401] {strides = array<i32>} : memref<200x128xf32, #tpu.memory_space<vmem>>, vector<1x16xf32>,
        %get3A_403 = vector.shape_cast %get3A_402 : vector<1x16xf32> to vector<16xf32>
        %add3A_404 = arith.addf %add3A_397, %get3A_403 : vector<16xf32>
        %get3A_405 = arith.index_cast %add3A_369 : i32 to index
        %get3A_406 = arith.constant 48 : index
        %get3A_407 = tpu.vector_load %arg6[%get3A_405, %get3A_406] {strides = array<i32>} : memref<200x128xf32, #tpu.memory_space<vmem>>, vector<1x16xf32>,
        %get3A_408 = vector.shape_cast %get3A_407 : vector<1x16xf32> to vector<16xf32>
        %add3A_409 = arith.addf %scan3A_361, %get3A_408 : vector<16xf32>
        %add3A_410 = arith.constant 1 : i32
        %add3A_411 = arith.addi %add3A_369, %add3A_410 : i32
        %get3A_412 = arith.index_cast %add3A_411 : i32 to index
        %get3A_413 = arith.constant 48 : index
        %get3A_414 = tpu.vector_load %arg6[%get3A_412, %get3A_413] {strides = array<i32>} : memref<200x128xf32, #tpu.memory_space<vmem>>, vector<1x16xf32>,
        %get3A_415 = vector.shape_cast %get3A_414 : vector<1x16xf32> to vector<16xf32>
        %add3A_416 = arith.addf %add3A_409, %get3A_415 : vector<16xf32>
        %get3A_417 = arith.index_cast %add3A_369 : i32 to index
        %get3A_418 = arith.constant 64 : index
        %get3A_419 = tpu.vector_load %arg6[%get3A_417, %get3A_418] {strides = array<i32>} : memref<200x128xf32, #tpu.memory_space<vmem>>, vector<1x16xf32>,
        %get3A_420 = vector.shape_cast %get3A_419 : vector<1x16xf32> to vector<16xf32>
        %add3A_421 = arith.addf %scan3A_362, %get3A_420 : vector<16xf32>
        %add3A_422 = arith.constant 1 : i32
        %add3A_423 = arith.addi %add3A_369, %add3A_422 : i32
        %get3A_424 = arith.index_cast %add3A_423 : i32 to index
        %get3A_425 = arith.constant 64 : index
        %get3A_426 = tpu.vector_load %arg6[%get3A_424, %get3A_425] {strides = array<i32>} : memref<200x128xf32, #tpu.memory_space<vmem>>, vector<1x16xf32>,
        %get3A_427 = vector.shape_cast %get3A_426 : vector<1x16xf32> to vector<16xf32>
        %add3A_428 = arith.addf %add3A_421, %get3A_427 : vector<16xf32>
        %get3A_429 = arith.index_cast %add3A_369 : i32 to index
        %get3A_430 = arith.constant 80 : index
        %get3A_431 = tpu.vector_load %arg6[%get3A_429, %get3A_430] {strides = array<i32>} : memref<200x128xf32, #tpu.memory_space<vmem>>, vector<1x16xf32>,
        %get3A_432 = vector.shape_cast %get3A_431 : vector<1x16xf32> to vector<16xf32>
        %add3A_433 = arith.addf %scan3A_363, %get3A_432 : vector<16xf32>
        %add3A_434 = arith.constant 1 : i32
        %add3A_435 = arith.addi %add3A_369, %add3A_434 : i32
        %get3A_436 = arith.index_cast %add3A_435 : i32 to index
        %get3A_437 = arith.constant 80 : index
        %get3A_438 = tpu.vector_load %arg6[%get3A_436, %get3A_437] {strides = array<i32>} : memref<200x128xf32, #tpu.memory_space<vmem>>, vector<1x16xf32>,
        %get3A_439 = vector.shape_cast %get3A_438 : vector<1x16xf32> to vector<16xf32>
        %add3A_440 = arith.addf %add3A_433, %get3A_439 : vector<16xf32>
        %get3A_441 = arith.index_cast %add3A_369 : i32 to index
        %get3A_442 = arith.constant 96 : index
        %get3A_443 = tpu.vector_load %arg6[%get3A_441, %get3A_442] {strides = array<i32>} : memref<200x128xf32, #tpu.memory_space<vmem>>, vector<1x16xf32>,
        %get3A_444 = vector.shape_cast %get3A_443 : vector<1x16xf32> to vector<16xf32>
        %add3A_445 = arith.addf %scan3A_364, %get3A_444 : vector<16xf32>
        %add3A_446 = arith.constant 1 : i32
        %add3A_447 = arith.addi %add3A_369, %add3A_446 : i32
        %get3A_448 = arith.index_cast %add3A_447 : i32 to index
        %get3A_449 = arith.constant 96 : index
        %get3A_450 = tpu.vector_load %arg6[%get3A_448, %get3A_449] {strides = array<i32>} : memref<200x128xf32, #tpu.memory_space<vmem>>, vector<1x16xf32>,
        %get3A_451 = vector.shape_cast %get3A_450 : vector<1x16xf32> to vector<16xf32>
        %add3A_452 = arith.addf %add3A_445, %get3A_451 : vector<16xf32>
        %get3A_453 = arith.index_cast %add3A_369 : i32 to index
        %get3A_454 = arith.constant 112 : index
        %get3A_455 = tpu.vector_load %arg6[%get3A_453, %get3A_454] {strides = array<i32>} : memref<200x128xf32, #tpu.memory_space<vmem>>, vector<1x16xf32>,
        %get3A_456 = vector.shape_cast %get3A_455 : vector<1x16xf32> to vector<16xf32>
        %add3A_457 = arith.addf %scan3A_365, %get3A_456 : vector<16xf32>
        %add3A_458 = arith.constant 1 : i32
        %add3A_459 = arith.addi %add3A_369, %add3A_458 : i32
        %get3A_460 = arith.index_cast %add3A_459 : i32 to index
        %get3A_461 = arith.constant 112 : index
        %get3A_462 = tpu.vector_load %arg6[%get3A_460, %get3A_461] {strides = array<i32>} : memref<200x128xf32, #tpu.memory_space<vmem>>, vector<1x16xf32>,
        %get3A_463 = vector.shape_cast %get3A_462 : vector<1x16xf32> to vector<16xf32>
        %add3A_464 = arith.addf %add3A_457, %get3A_463 : vector<16xf32>
        scf.yield %add3A_380, %add3A_392, %add3A_404, %add3A_416, %add3A_428, %add3A_440, %add3A_452, %add3A_464 : vector<16xf32>, vector<16xf32>, vector<16xf32>, vector<16xf32>, vector<16xf32>, vector<16xf32>, vector<16xf32>, vector<16xf32>
      }
      %scan3A_316 = arith.constant 25 : i32
      %swap3A_317 = arith.index_cast %add3A_294 : i32 to index
      %swap3A_318 = arith.constant 0 : index
      %swap3A_319 = tpu.vector_load %arg7[%swap3A_317, %swap3A_318] {strides = array<i32>} : memref<128x128xf32, #tpu.memory_space<vmem>>, vector<1x16xf32>,
      %swap3A_320 = vector.shape_cast %swap3A_319 : vector<1x16xf32> to vector<16xf32>
      %swap3A_321 = vector.shape_cast %scan3A_315#0 : vector<16xf32> to vector<1x16xf32>
      tpu.vector_store %arg7[%swap3A_317, %swap3A_318], %swap3A_321 {strides = array<i32>} : memref<128x128xf32, #tpu.memory_space<vmem>>, vector<1x16xf32>,
      %swap3A_322 = arith.index_cast %add3A_294 : i32 to index
      %swap3A_323 = arith.constant 16 : index
      %swap3A_324 = tpu.vector_load %arg7[%swap3A_322, %swap3A_323] {strides = array<i32>} : memref<128x128xf32, #tpu.memory_space<vmem>>, vector<1x16xf32>,
      %swap3A_325 = vector.shape_cast %swap3A_324 : vector<1x16xf32> to vector<16xf32>
      %swap3A_326 = vector.shape_cast %scan3A_315#1 : vector<16xf32> to vector<1x16xf32>
      tpu.vector_store %arg7[%swap3A_322, %swap3A_323], %swap3A_326 {strides = array<i32>} : memref<128x128xf32, #tpu.memory_space<vmem>>, vector<1x16xf32>,
      %swap3A_327 = arith.index_cast %add3A_294 : i32 to index
      %swap3A_328 = arith.constant 32 : index
      %swap3A_329 = tpu.vector_load %arg7[%swap3A_327, %swap3A_328] {strides = array<i32>} : memref<128x128xf32, #tpu.memory_space<vmem>>, vector<1x16xf32>,
      %swap3A_330 = vector.shape_cast %swap3A_329 : vector<1x16xf32> to vector<16xf32>
      %swap3A_331 = vector.shape_cast %scan3A_315#2 : vector<16xf32> to vector<1x16xf32>
      tpu.vector_store %arg7[%swap3A_327, %swap3A_328], %swap3A_331 {strides = array<i32>} : memref<128x128xf32, #tpu.memory_space<vmem>>, vector<1x16xf32>,
      %swap3A_332 = arith.index_cast %add3A_294 : i32 to index
      %swap3A_333 = arith.constant 48 : index
      %swap3A_334 = tpu.vector_load %arg7[%swap3A_332, %swap3A_333] {strides = array<i32>} : memref<128x128xf32, #tpu.memory_space<vmem>>, vector<1x16xf32>,
      %swap3A_335 = vector.shape_cast %swap3A_334 : vector<1x16xf32> to vector<16xf32>
      %swap3A_336 = vector.shape_cast %scan3A_315#3 : vector<16xf32> to vector<1x16xf32>
      tpu.vector_store %arg7[%swap3A_332, %swap3A_333], %swap3A_336 {strides = array<i32>} : memref<128x128xf32, #tpu.memory_space<vmem>>, vector<1x16xf32>,
      %swap3A_337 = arith.index_cast %add3A_294 : i32 to index
      %swap3A_338 = arith.constant 64 : index
      %swap3A_339 = tpu.vector_load %arg7[%swap3A_337, %swap3A_338] {strides = array<i32>} : memref<128x128xf32, #tpu.memory_space<vmem>>, vector<1x16xf32>,
      %swap3A_340 = vector.shape_cast %swap3A_339 : vector<1x16xf32> to vector<16xf32>
      %swap3A_341 = vector.shape_cast %scan3A_315#4 : vector<16xf32> to vector<1x16xf32>
      tpu.vector_store %arg7[%swap3A_337, %swap3A_338], %swap3A_341 {strides = array<i32>} : memref<128x128xf32, #tpu.memory_space<vmem>>, vector<1x16xf32>,
      %swap3A_342 = arith.index_cast %add3A_294 : i32 to index
      %swap3A_343 = arith.constant 80 : index
      %swap3A_344 = tpu.vector_load %arg7[%swap3A_342, %swap3A_343] {strides = array<i32>} : memref<128x128xf32, #tpu.memory_space<vmem>>, vector<1x16xf32>,
      %swap3A_345 = vector.shape_cast %swap3A_344 : vector<1x16xf32> to vector<16xf32>
      %swap3A_346 = vector.shape_cast %scan3A_315#5 : vector<16xf32> to vector<1x16xf32>
      tpu.vector_store %arg7[%swap3A_342, %swap3A_343], %swap3A_346 {strides = array<i32>} : memref<128x128xf32, #tpu.memory_space<vmem>>, vector<1x16xf32>,
      %swap3A_347 = arith.index_cast %add3A_294 : i32 to index
      %swap3A_348 = arith.constant 96 : index
      %swap3A_349 = tpu.vector_load %arg7[%swap3A_347, %swap3A_348] {strides = array<i32>} : memref<128x128xf32, #tpu.memory_space<vmem>>, vector<1x16xf32>,
      %swap3A_350 = vector.shape_cast %swap3A_349 : vector<1x16xf32> to vector<16xf32>
      %swap3A_351 = vector.shape_cast %scan3A_315#6 : vector<16xf32> to vector<1x16xf32>
      tpu.vector_store %arg7[%swap3A_347, %swap3A_348], %swap3A_351 {strides = array<i32>} : memref<128x128xf32, #tpu.memory_space<vmem>>, vector<1x16xf32>,
      %swap3A_352 = arith.index_cast %add3A_294 : i32 to index
      %swap3A_353 = arith.constant 112 : index
      %swap3A_354 = tpu.vector_load %arg7[%swap3A_352, %swap3A_353] {strides = array<i32>} : memref<128x128xf32, #tpu.memory_space<vmem>>, vector<1x16xf32>,
      %swap3A_355 = vector.shape_cast %swap3A_354 : vector<1x16xf32> to vector<16xf32>
      %swap3A_356 = vector.shape_cast %scan3A_315#7 : vector<16xf32> to vector<1x16xf32>
      tpu.vector_store %arg7[%swap3A_352, %swap3A_353], %swap3A_356 {strides = array<i32>} : memref<128x128xf32, #tpu.memory_space<vmem>>, vector<1x16xf32>,
    }
    %scan3A_7 = arith.constant 32 : i32
    "tpu.region"() ({
      %run_scoped3A = tpu.sem_alloc : memref<!tpu.dma_semaphore, #tpu.memory_space<semaphore_mem>>
      %dma_start3A = arith.constant 0 : i32
      %dma_start3A_8 = tpu.memref_slice %arg4[%mul3A_2, %dma_start3A] : memref<4096x128xf32, #tpu.memory_space<hbm>> -> memref<128x128xf32, #tpu.memory_space<hbm>>
      %dma_start3A_9 = arith.constant 0 : i32
      %dma_start3A_10 = tpu.memref_slice %arg4[%mul3A_2, %dma_start3A_9] : memref<4096x128xf32, #tpu.memory_space<hbm>> -> memref<128x128xf32, #tpu.memory_space<hbm>>
      tpu.enqueue_dma source(%arg7 : memref<128x128xf32, #tpu.memory_space<vmem>>) target(%dma_start3A_10 : memref<128x128xf32, #tpu.memory_space<hbm>>) target_semaphore(%run_scoped3A : memref<!tpu.dma_semaphore, #tpu.memory_space<semaphore_mem>>)
      %dma_wait3A = arith.constant 0 : i32
      %dma_wait3A_11 = tpu.memref_slice %arg4[%mul3A_2, %dma_wait3A] : memref<4096x128xf32, #tpu.memory_space<hbm>> -> memref<128x128xf32, #tpu.memory_space<hbm>>
      %dma_wait3A_12 = arith.constant 0 : i32
      %dma_wait3A_13 = tpu.memref_slice %arg4[%mul3A_2, %dma_wait3A_12] : memref<4096x128xf32, #tpu.memory_space<hbm>> -> memref<128x128xf32, #tpu.memory_space<hbm>>
      tpu.wait_dma2 semaphore(%run_scoped3A : memref<!tpu.dma_semaphore, #tpu.memory_space<semaphore_mem>>) src(%arg7 : memref<128x128xf32, #tpu.memory_space<vmem>>) dst(%dma_wait3A_13 : memref<128x128xf32, #tpu.memory_space<hbm>>)
      tpu.yield
    }) : () -> ()
    return
  }
}

module attributes {stable_mosaic.version = 14 : i64} {
  func.func @_mlp_body(%arg0: i32, %arg1: memref<512x128xf32, #tpu.memory_space<vmem>>, %arg2: memref<512x1xf32, #tpu.memory_space<vmem>>, %arg3: memref<128x256xf32, #tpu.memory_space<vmem>>, %arg4: memref<1x256xf32, #tpu.memory_space<vmem>>, %arg5: memref<256x5xf32, #tpu.memory_space<vmem>>, %arg6: memref<1x5xf32, #tpu.memory_space<vmem>>, %arg7: memref<512x5xf32, #tpu.memory_space<vmem>>) attributes {dimension_semantics = [#tpu.dimension_semantics<arbitrary>], iteration_bounds = array<i64: 8>, scalar_prefetch = 0 : i64, scratch_operands = 0 : i64, tpu.core_type = #tpu.core_type<tc>, window_params = [{transform_indices = @transform_0, window_bounds = array<i64: 512, 128>}, {transform_indices = @transform_1, window_bounds = array<i64: 512, 1>}, {pipeline_mode = #tpu.pipeline_mode<synchronous>, transform_indices = @transform_2, window_bounds = array<i64: 128, 256>}, {pipeline_mode = #tpu.pipeline_mode<synchronous>, transform_indices = @transform_3, window_bounds = array<i64: 1, 256>}, {pipeline_mode = #tpu.pipeline_mode<synchronous>, transform_indices = @transform_4, window_bounds = array<i64: 256, 5>}, {pipeline_mode = #tpu.pipeline_mode<synchronous>, transform_indices = @transform_5, window_bounds = array<i64: 1, 5>}, {transform_indices = @transform_6, window_bounds = array<i64: 512, 5>}]} {
    %get3A = arith.constant 0 : index
    %get3A_0 = arith.constant 0 : index
    %get3A_1 = vector.load %arg1[%get3A, %get3A_0] : memref<512x128xf32, #tpu.memory_space<vmem>>, vector<512x128xf32>
    %get3A_2 = arith.constant 0 : index
    %get3A_3 = arith.constant 0 : index
    %get3A_4 = vector.load %arg2[%get3A_2, %get3A_3] : memref<512x1xf32, #tpu.memory_space<vmem>>, vector<512x1xf32>
    %div3A = vector.broadcast %get3A_4 : vector<512x1xf32> to vector<512x128xf32>
    %div3A_5 = arith.divf %get3A_1, %div3A : vector<512x128xf32>
    %get3A_6 = arith.constant 0 : index
    %get3A_7 = arith.constant 0 : index
    %get3A_8 = vector.load %arg3[%get3A_6, %get3A_7] : memref<128x256xf32, #tpu.memory_space<vmem>>, vector<128x256xf32>
    %dot_general3A = arith.constant dense<0.000000e+00> : vector<512x256xf32>
    %dot_general3A_9 = tpu.matmul %div3A_5, %get3A_8, %dot_general3A {dimension_numbers = #tpu.dot_dimension_numbers<[1], [0], [0], [1], [0, 0, 1, 1], [], []>, transpose_lhs_hint = false} : vector<512x128xf32>, vector<128x256xf32>, vector<512x256xf32> -> vector<512x256xf32>
    %get3A_10 = arith.constant 0 : index
    %get3A_11 = arith.constant 0 : index
    %get3A_12 = vector.load %arg4[%get3A_10, %get3A_11] : memref<1x256xf32, #tpu.memory_space<vmem>>, vector<1x256xf32>
    %add3A = vector.broadcast %get3A_12 : vector<1x256xf32> to vector<512x256xf32>
    %add3A_13 = arith.addf %dot_general3A_9, %add3A : vector<512x256xf32>
    %max3A = arith.constant 0.000000e+00 : f32
    %max3A_14 = vector.broadcast %max3A : f32 to vector<512x256xf32>
    %max3A_15 = arith.maximumf %add3A_13, %max3A_14 : vector<512x256xf32>
    %get3A_16 = arith.constant 0 : index
    %get3A_17 = arith.constant 0 : index
    %get3A_18 = vector.load %arg5[%get3A_16, %get3A_17] : memref<256x5xf32, #tpu.memory_space<vmem>>, vector<256x5xf32>
    %dot_general3A_19 = arith.constant dense<0.000000e+00> : vector<512x5xf32>
    %dot_general3A_20 = tpu.matmul %max3A_15, %get3A_18, %dot_general3A_19 {dimension_numbers = #tpu.dot_dimension_numbers<[1], [0], [0], [1], [0, 0, 1, 1], [], []>, transpose_lhs_hint = false} : vector<512x256xf32>, vector<256x5xf32>, vector<512x5xf32> -> vector<512x5xf32>
    %get3A_21 = arith.constant 0 : index
    %get3A_22 = arith.constant 0 : index
    %get3A_23 = vector.load %arg6[%get3A_21, %get3A_22] : memref<1x5xf32, #tpu.memory_space<vmem>>, vector<1x5xf32>
    %add3A_24 = vector.broadcast %get3A_23 : vector<1x5xf32> to vector<512x5xf32>
    %add3A_25 = arith.addf %dot_general3A_20, %add3A_24 : vector<512x5xf32>
    %swap3A = arith.constant 0 : index
    %swap3A_26 = arith.constant 0 : index
    %swap3A_27 = vector.load %arg7[%swap3A, %swap3A_26] : memref<512x5xf32, #tpu.memory_space<vmem>>, vector<512x5xf32>
    tpu.vector_store %arg7[%swap3A, %swap3A_26], %add3A_25 {strides = array<i32>} : memref<512x5xf32, #tpu.memory_space<vmem>>, vector<512x5xf32>,
    return
  }
  func.func @transform_0(%arg0: i32) -> (i32, i32) {
    %c0_i32 = arith.constant 0 : i32
    %c0_i32_0 = arith.constant 0 : i32
    return %arg0, %c0_i32 : i32, i32
  }
  func.func @transform_1(%arg0: i32) -> (i32, i32) {
    %c0_i32 = arith.constant 0 : i32
    %c0_i32_0 = arith.constant 0 : i32
    return %arg0, %c0_i32 : i32, i32
  }
  func.func @transform_2(%arg0: i32) -> (i32, i32) {
    %c0_i32 = arith.constant 0 : i32
    %c0_i32_0 = arith.constant 0 : i32
    %c0_i32_1 = arith.constant 0 : i32
    return %c0_i32, %c0_i32_0 : i32, i32
  }
  func.func @transform_3(%arg0: i32) -> (i32, i32) {
    %c0_i32 = arith.constant 0 : i32
    %c0_i32_0 = arith.constant 0 : i32
    %c0_i32_1 = arith.constant 0 : i32
    return %c0_i32, %c0_i32_0 : i32, i32
  }
  func.func @transform_4(%arg0: i32) -> (i32, i32) {
    %c0_i32 = arith.constant 0 : i32
    %c0_i32_0 = arith.constant 0 : i32
    %c0_i32_1 = arith.constant 0 : i32
    return %c0_i32, %c0_i32_0 : i32, i32
  }
  func.func @transform_5(%arg0: i32) -> (i32, i32) {
    %c0_i32 = arith.constant 0 : i32
    %c0_i32_0 = arith.constant 0 : i32
    %c0_i32_1 = arith.constant 0 : i32
    return %c0_i32, %c0_i32_0 : i32, i32
  }
  func.func @transform_6(%arg0: i32) -> (i32, i32) {
    %c0_i32 = arith.constant 0 : i32
    %c0_i32_0 = arith.constant 0 : i32
    return %arg0, %c0_i32 : i32, i32
  }
}

</mosaic_0001>

<sc_bundles>
// kernel: kernel.4.cloned.1.call-start
scs
__scs_entry_jumppad:
0x0: {  	(pc) =	sbr.rel $0x88, $3  }
0x1: {  	(tag) =	ssettag $0x0;
	lr =	simm.s32 $0x1  }
0x2: {  	[smem:$0x3F9A] =	sst lr;
	_ =	strace $0xD0000000  }
0x3: {  	_ = 	snop  }
0x4: {  	_ = 	snop  }
0x5: {  	_ = 	snop  }
0x6: {  	_ = 	snop  }
0x7: {  	_ = 	snop  }
__scs_overlays_trampoline_lowered:
0x8: {  	[smem:$0x3FA9] =	sst s0  }
0x9: {  	[smem:$0x3FAA] =	sst s1  }
0xa: {  	[smem:$0x3FAB] =	sst s2  }
0xb: {  	[smem:$0x3FAC] =	sst s3  }
0xc: {  	[smem:$0x3FAD] =	sst s4  }
0xd: {  	[smem:$0x3FAE] =	sst s5  }
0xe: {  	[smem:$0x3FAF] =	sst s6  }
0xf: {  	[smem:$0x3FB0] =	sst s7  }
0x10: {  	[smem:$0x3FB1] =	sst s8  }
0x11: {  	[smem:$0x3FB2] =	sst s9;
	s0 =	simm.s32 @!p0 $0x0  }
0x12: {  	s1 =	sld [smem:$0x3F98];
	s0 =	simm.s32 @p0 $0x1  }
0x13: {  	[smem:$0x3FB3] =	sst s0;
	s0 =	simm.s32 @!p1 $0x0  }
0x14: {  	s2 =	sld [smem:$0x3F97];
	s0 =	simm.s32 @p1 $0x1  }
0x15: {  	[smem:$0x3FB4] =	sst s0;
	s0 =	simm.s32 @!p2 $0x0  }
0x16: {  	s3 =	sld [smem:$0x3FDB];
	s0 =	simm.s32 @p2 $0x1  }
0x17: {  	s4 =	simm.s32 $0x1BF5;
	[smem:$0x3FB6] =	sst s0  }
0x18: {  	s0 =	sld [smem:$0x3F99];
	_ =	swait.ge [sflag:s4], $0x0  }
0x19: {  	s7 =	sld [smem:$0x3F9A]  }
0x1a: {  	s8 =	sadd.s32 $0xFFFFE003, lr  }
0x1b: {  	s9 =	sadd.s32 $0xFFFFFEF7, lr;
	s5 =	simm.s32 $0xFFFFFFFF;
	p2 =	slt.u32 s8, $0xFFFFF086  }
0x1c: {  	p1 =	slt.u32 s9, $0xF7A;
	s5 =	simm.s32 @!p2 $0x0  }
0x1d: {  	s5 =	simm.s32 @p1 $0x1;
	p0 =	seq.s32 s7, s2  }
0x1e: {  	s7 =	smul.u32 @!p0 $0xF7A, s2;
	p2 =	seq.s32 @!p0 s5, $0x0  }
0x1f: {  	s9 =	smul.u32 $0xF7A, s1;
	s8 =	simm.s32 @!p0 $0x1BF5;
	p2 =	por !p2, p0  }
0x20: {  	[sflag:s8] =	ssyncset.s32 @!p0 $0xFFFFF086;
	s6 =	sadd.s32 @!p0 s3, s7;
	s7 =	simm.s32 @!p0 $0x108  }
0x21: {  	s3 =	sadd.s32 s3, s9;
	s6 =	sadd.s32 @!p0 $0x88, s6;
	s7 =	simm.s32 @p2 $0x1082  }
0x22: {  	[simem:s7], [sflag:s8] =	dma.local @!p0 [hbm:s6], $0xF7A  }
0x23: {  	s9 =	sor.u32 $0xD0000000, s2;
	s6 =	simm.s32 $0x108;
	_ =	swait.ge @!p0 [sflag:s8], $0x0  }
0x24: {  	s3 =	sadd.s32 $0x88, s3;
	s6 =	simm.s32 @!p1 $0x1082;
	[sflag:s4] =	ssyncset.s32 $0xFFFFF086  }
0x25: {  	[simem:s6], [sflag:s4] =	dma.local [hbm:s3], $0xF7A  }
0x26: {  	[smem:$0x3F9A] =	sst s1;
	(tag) =	ssettag s2;
	_ =	strace s9  }
0x27: {  	s1 =	sld [smem:$0x3FAA]  }
0x28: {  	s2 =	sld [smem:$0x3FAB]  }
0x29: {  	s4 =	sld [smem:$0x3FAD]  }
0x2a: {  	p0 =	seq.s32 s5, $0x0;
	s5 =	sld [smem:$0x3FAE]  }
0x2b: {  	s6 =	sld [smem:$0x3FAF]  }
0x2c: {  	s7 =	sld [smem:$0x3FB0]  }
0x2d: {  	s3 =	simm.s32 $0x108;
	s8 =	sld [smem:$0x3FB1]  }
0x2e: {  	s3 =	simm.s32 @!p0 $0x1082;
	s9 =	sld [smem:$0x3FB2]  }
0x2f: {  	lr =	sadd.s32 s0, s3;
	s0 =	sld [smem:$0x3FA9]  }
0x30: {  	s3 =	sld [smem:$0x3FAC]  }
0x31: {  	[smem:$0x3FB5] =	sst s10  }
0x32: {  	s10 =	sld [smem:$0x3FB3];
	_ =	sdelay $0x3  }
0x33: {  	p0 =	seq.s32 s10, $0x1;
	s10 =	sld [smem:$0x3FB5];
	_ =	sdelay $0x3  }
0x34: {  	[smem:$0x3FB5] =	sst s10  }
0x35: {  	s10 =	sld [smem:$0x3FB4];
	_ =	sdelay $0x3  }
0x36: {  	p1 =	seq.s32 s10, $0x1;
	s10 =	sld [smem:$0x3FB5];
	_ =	sdelay $0x3  }
0x37: {  	[smem:$0x3FB5] =	sst s10  }
0x38: {  	s10 =	sld [smem:$0x3FB6]  }
0x39: {  	_ = 	snop;
	(pc) =	sbr.ind lr, $3  }
0x3a: {  	_ = 	snop  }
0x3b: {  	_ = 	snop  }
0x3c: {  	p2 =	seq.s32 s10, $0x1;
	s10 =	sld [smem:$0x3FB5]  }
0x3d: {  	_ =	shalt  }
0x3e: {  	_ =	shalt  }
0x3f: {  	_ =	shalt  }
0x40: {  	_ =	shalt  }
0x41: {  	_ =	shalt  }
0x42: {  	_ =	shalt  }
0x43: {  	_ =	shalt  }
0x44: {  	_ =	shalt  }
0x45: {  	_ =	shalt  }
0x46: {  	_ =	shalt  }
0x47: {  	_ =	shalt  }
0x48: {  	_ =	shalt  }
0x49: {  	_ =	shalt  }
0x4a: {  	_ =	shalt  }
0x4b: {  	_ =	shalt  }
0x4c: {  	_ =	shalt  }
0x4d: {  	_ =	shalt  }
0x4e: {  	_ =	shalt  }
0x4f: {  	_ =	shalt  }
0x50: {  	_ =	shalt  }
0x51: {  	_ =	shalt  }
0x52: {  	_ =	shalt  }
0x53: {  	_ =	shalt  }
0x54: {  	_ =	shalt  }
0x55: {  	_ =	shalt  }
0x56: {  	_ =	shalt  }
0x57: {  	_ =	shalt  }
0x58: {  	_ =	shalt  }
0x59: {  	_ =	shalt  }
0x5a: {  	_ =	shalt  }
0x5b: {  	_ =	shalt  }
0x5c: {  	_ =	shalt  }
0x5d: {  	_ =	shalt  }
0x5e: {  	_ =	shalt  }
0x5f: {  	_ =	shalt  }
0x60: {  	_ =	shalt  }
0x61: {  	_ =	shalt  }
0x62: {  	_ =	shalt  }
0x63: {  	_ =	shalt  }
0x64: {  	_ =	shalt  }
0x65: {  	_ =	shalt  }
0x66: {  	_ =	shalt  }
0x67: {  	_ =	shalt  }
0x68: {  	_ =	shalt  }
0x69: {  	_ =	shalt  }
0x6a: {  	_ =	shalt  }
0x6b: {  	_ =	shalt  }
0x6c: {  	_ =	shalt  }
0x6d: {  	_ =	shalt  }
0x6e: {  	_ =	shalt  }
0x6f: {  	_ =	shalt  }
0x70: {  	_ =	shalt  }
0x71: {  	_ =	shalt  }
0x72: {  	_ =	shalt  }
0x73: {  	_ =	shalt  }
0x74: {  	_ =	shalt  }
0x75: {  	_ =	shalt  }
0x76: {  	_ =	shalt  }
0x77: {  	_ =	shalt  }
0x78: {  	_ =	shalt  }
0x79: {  	_ =	shalt  }
0x7a: {  	_ =	shalt  }
0x7b: {  	_ =	shalt  }
0x7c: {  	_ =	shalt  }
0x7d: {  	_ =	shalt  }
0x7e: {  	_ =	shalt  }
0x7f: {  	_ =	shalt  }
0x80: {  	_ =	shalt  }
0x81: {  	_ =	shalt  }
0x82: {  	_ =	shalt  }
0x83: {  	_ =	shalt  }
0x84: {  	_ =	shalt  }
0x85: {  	_ =	shalt  }
0x86: {  	_ =	shalt  }
0x87: {  	_ =	shalt  }
.Lfunc_end0:
.L_simem_size_0:
called_computation_lowered:
.L_overlay_start_0:
0x88: {  	s2 =	sld [smem:$0x3FD9]  }
0x89: {  	s3 =	sld [smem:$0x3FFE];
	_ =	sdelay $0x1  }
0x8a: {  	s1 =	srdreg.scid  }
0x8b: {  	s0 =	sand.u32 $0x1, s1  }
0x8c: {  	s17 =	sshll.u32 s0, $0xA;
	s2 =	sadd.s32 s3, s2  }
0x8d: {  	s2 =	sadd.s32 s2, s17  }
0x8e: {  	[smem:$0x3FC1] =	sst s2  }
0x8f: {  	_ = 	snop  }
0x90: {  	s2 =	sld [smem:$0x3FC7];
	(tm) =	ssettm $0x1  }
0x91: {  	s18 =	sld [smem:$0x3FFB];
	_ =	sdelay $0x3  }
0x92: {  	_ =	strace s18  }
0x93: {  	s3 =	sld [smem:$0x3FFC];
	_ =	sdelay $0x3  }
0x94: {  	_ =	strace s3  }
0x95: {  	s3 =	sld [smem:$0x3FFD];
	_ =	sdelay $0x3  }
0x96: {  	_ =	strace s3  }
0x97: {  	_ =	strace $0x8FFFFFFF  }
0x98: {  	s19 =	sld [smem:$0x3FDB];
	_ =	sdelay $0x1  }
0x99: {  	s4 =	simm.s32 $_scs_section_size  }
0x9a: {  	s5 =	simm.s32 $_size__tile_overlayer_lowered;
	s6 =	simm.s32 $_tile_overlayer_lowered  }
0x9b: {  	s22 =	simm.s32 $0x1BFF;
	s21 =	sshll.u32 s6, $0x1;
	s3 =	sadd.s32 s4, s19  }
0x9c: {  	s7 =	simm.s32 $0x0;
	s20 =	sshll.u32 s5, $0x1;
	s5 =	sadd.s32 s21, s3  }
0x9d: {  	[timem:s7], [sflag:s22] =	dma.local [hbm:s5], s20  }
0x9e: {  	_ =	swait.ge [sflag:s22], s20  }
0x9f: {  	s4 =	ssub.s32 $0x0, s20;
	[sflag:s22] =	ssyncset.done $0x0  }
0xa0: {  	[sflag:s22] =	ssyncadd.s32 s4;
	_ =	sdelay $0x1  }
0xa1: {  	s23 =	simm.s32 $0x1B8B  }
0xa2: {  	_ =	swait.ge [sflag:s23], $0x1  }
0xa3: {  	[sflag:s23] =	ssyncset.done $0x0  }
0xa4: {  	s25 =	simm.s32 $0x1B8E;
	s24 =	sld [smem:$0x3FFE];
	[sflag:s23] =	ssyncadd.s32 $0xFFFFFFFF  }
0xa5: {  	s26 =	simm.s32 $execute0_lowered;
	[smem:$0x3FD2] =	sst s25  }
0xa6: {  	s5 =	sshll.u32 s26, $0x1;
	_ =	strace $0x80000046;
	[dreg:$0x1] =	wrdreg $0xFFFFFFFF  }
0xa7: {  	s28 =	simm.s32 $_size_execute0_lowered;
	s3 =	sadd.s32 s3, s5;
	[dreg:$0x0] =	wrdreg $0x0  }
0xa8: {  	s5 =	sshll.u32 s28, $0x1;
	[dreg:$0x2] =	wrdreg s3  }
0xa9: {  	[dreg:$0x3] =	wrdreg s5  }
0xaa: {  	[dreg:$0x4] =	wrdreg $0xC0  }
0xab: {  	_ =	task [dreg:s7], $0x5FFFF  }
0xac: {  	[dreg:$0x1] =	wrdreg $0xFFFFFFFF  }
0xad: {  	[dreg:$0x0] =	wrdreg $0x60  }
0xae: {  	[dreg:$0x2] =	wrdreg s24  }
0xaf: {  	[dreg:$0x3] =	wrdreg s2  }
0xb0: {  	[dreg:$0x4] =	wrdreg $0x9  }
0xb1: {  	_ =	task.clear_ibuf [dreg:s7], $0x5FFFF;
	_ =	strace $0x90000046  }
0xb2: {  	s29 =	simm.s32 $0x9;
	_ =	strace $0x80000048  }
0xb3: {  	_ =	swait.ge [sflag:s29], $0x1  }
0xb4: {  	[sflag:s29] =	ssyncadd.s32 $0xFFFFFFFF  }
0xb5: {  	_ =	strace $0x90000048  }
0xb6: {  	_ =	sfence  }
0xb7: {  	s30 =	sld [smem:$0x0];
	_ =	sdelay $0x2  }
0xb8: {  	s31 =	sshll.u32 s1, $0xD;
	s1 =	sshrl.u32 s1, $0x2  }
0xb9: {  	s3 =	sand.u32 $0x4000, s31;
	s1 =	sadd.s32 s1, s30  }
0xba: {  	s0 =	sor.u32 s3, s0;
	s1 =	sshll.u32 s1, $0x11  }
0xbb: {  	s0 =	sor.u32 s1, s0  }
0xbc: {  	s0 =	sadd.s32 $0x8F2B, s0  }
0xbd: {  	[sflag:s0] =	ssyncadd.remote.s32 $0x1  }
0xbe: {  	_ =	sfence.sel $0xFFFF  }
0xbf: {  	[dreg:$0x0] =	wrdreg $0xFFFFFFFF;
	(pc) =	sbr.abs _section_cstart, $3  }
0xc0: {  	[dreg:$0x1] =	wrdreg $0xFFFFFFFF  }
0xc1: {  	_ =	task.clear_ibuf [dreg:s7], $0x2FFFF;
	_ =	strace $0x9FFFFFFF  }
0xc2: {  	(tm) =	ssettm $0x7FFFFFFF  }
0xc3: {  	_ =	shalt  }
tec
execute0_lowered:
.L_overlay_start_1:
0x0: {  	(tag) =	ssettag $0x1  }
0x1: {  	s4 =	rddreg [dreg:$0x0]  }
0x2: {  	s2 =	rddreg [dreg:$0x1]  }
0x3: {  	s0 =	rddreg [dreg:$0x2];
	s5 =	srdreg.scid  }
0x4: {  	s3 =	simm.s32 $0x0;
	s1 =	stileid.u32;
	s8 =	simm.s32 $0x32  }
0x5: {  	s9 =	simm.s32 $0x4000;
	s10 =	simm.s32 $0x5900;
	s11 =	simm.s32 $0x7200  }
0x6: {  	s12 =	simm.s32 $0x8B00;
	s13 =	simm.s32 $0x1;
	s5 =	sand.u32 $0x1, s5  }
0x7: {  	s14 =	simm.s32 $0xA400;
	s6 =	sshll.u32 s1, $0xC;
	s7 =	sshll.u32 s5, $0xB  }
0x8: {  	s15 =	simm.s32 $0x0;
	s5 =	ssub.s32 $0x2, s5;
	s6 =	sor.u32 s7, s6  }
0x9: {  	[smem:$0x7FF] =	sst s3;
	s31 =	sshrl.u32 s5, $0x1;
	s6 =	sadd.s32 s6, s4  }
0xa: {  	_ =	strace $0x80000047;
	s7 =	ssub.s32 s5, s31;
	s4 =	sadd.s32 $0x1000, s6  }
0xb: {  	s5 =	sadd.s32 $0x11000, s6;
	s6 =	smax.u32 s7, $0x1;
	s7 =	simm.s32 $0x2  }
.LBB2_1:
0xc: {  	[tilespmem:s3], [sflag:$0x2] =	stream.linear.gather [hbm4b:s4+s3], $0x4000, $0x38;
	[tilespmem:$0xE400] =	vst v63  }
0xd: {  	_ =	swait.ge [sflag:s7], $0x4000  }
0xe: {  	[sflag:s7] =	ssyncset.done $0x0  }
0xf: {  	s16 =	simm.s32 $0x0;
	[sflag:s7] =	ssyncadd.s32 $0xFFFFC000  }
.LBB2_2:
0x10: {  	s17 =	sshll.u32 s16, $0x9  }
0x11: {  	[tilespmem:s9], [sflag:$0x1] =	stream.indirect.gather [hbm4b:s2+s8], $0x80, s17, s8, $0xb8;
	[tilespmem:$0xE400] =	vst v63  }
0x12: {  	s20 =	sor.u32 $0x80, s17  }
0x13: {  	[tilespmem:s10], [sflag:$0x1] =	stream.indirect.gather [hbm4b:s2+s8], $0x80, s20, s8, $0xb8;
	[tilespmem:$0xE400] =	vst v63  }
0x14: {  	s19 =	sor.u32 $0x100, s17  }
0x15: {  	[tilespmem:s11], [sflag:$0x1] =	stream.indirect.gather [hbm4b:s2+s8], $0x80, s19, s8, $0xb8;
	[tilespmem:$0xE400] =	vst v63  }
0x16: {  	s18 =	sor.u32 $0x180, s17  }
0x17: {  	[tilespmem:s12], [sflag:$0x1] =	stream.indirect.gather [hbm4b:s2+s8], $0x80, s18, s8, $0xb8;
	[tilespmem:$0xE400] =	vst v63  }
0x18: {  	_ =	swait.ge [sflag:s13], $0x1900  }
0x19: {  	[sflag:s13] =	ssyncset.done $0x0  }
0x1a: {  	[sflag:s13] =	ssyncadd.s32 $0xFFFFE700  }
0x1b: {  	_ =	swait.ge [sflag:s13], $0x1900  }
0x1c: {  	[sflag:s13] =	ssyncset.done $0x0  }
0x1d: {  	[sflag:s13] =	ssyncadd.s32 $0xFFFFE700  }
0x1e: {  	_ =	swait.ge [sflag:s13], $0x1900  }
0x1f: {  	[sflag:s13] =	ssyncset.done $0x0  }
0x20: {  	[sflag:s13] =	ssyncadd.s32 $0xFFFFE700  }
0x21: {  	_ =	swait.ge [sflag:s13], $0x1900  }
0x22: {  	[sflag:s13] =	ssyncset.done $0x0  }
0x23: {  	s21 =	simm.s32 $0x0;
	[sflag:s13] =	ssyncadd.s32 $0xFFFFE700  }
0x24: {  	v2 =	vld [tilespmem:s21+$0x4080]  }
0x25: {  	v5 =	vld [tilespmem:s21+$0x4090]  }
0x26: {  	v3 =	vld [tilespmem:s21+$0x40A0]  }
0x27: {  	v4 =	vld [tilespmem:s21+$0x40B0]  }
0x28: {  	v0 =	vld [tilespmem:s21+$0x40C0]  }
0x29: {  	v1 =	vld [tilespmem:s21+$0x40D0]  }
0x2a: {  	v19 =	vld [tilespmem:s21+$0x4000]  }
0x2b: {  	v20 =	vld [tilespmem:s21+$0x4010]  }
0x2c: {  	v18 =	vld [tilespmem:s21+$0x4020]  }
0x2d: {  	v17 =	vld [tilespmem:s21+$0x4030]  }
0x2e: {  	v10 =	vimm.f32 $0.0e+00;
	v11 =	vimm.f32 $0.0e+00;
	v14 =	vld [tilespmem:s21+$0x4040]  }
0x2f: {  	v13 =	vimm.f32 $0.0e+00;
	v12 =	vimm.f32 $0.0e+00;
	v8 =	vimm.f32 $0.0e+00;
	v15 =	vld [tilespmem:s21+$0x4050]  }
0x30: {  	s22 =	simm.s32 $0x400;
	v9 =	vimm.f32 $0.0e+00;
	v7 =	vimm.f32 $0.0e+00;
	v6 =	vimm.f32 $0.0e+00;
	v16 =	vld [tilespmem:s21+$0x4060]  }
.LBB2_3:
0x31: {  	p0 =	sne.s32 s22, $0x6000;
	v10 =	vadd.f32 v19, v10;
	v11 =	vadd.f32 v20, v11;
	v19 =	vld [tilespmem:s21+$0x4070]  }
0x32: {  	v13 =	vadd.f32 v18, v13;
	v12 =	vadd.f32 v17, v12;
	v17 =	vld [tilespmem:s21+$0x40E0]  }
0x33: {  	v10 =	vadd.f32 v2, v10;
	v11 =	vadd.f32 v5, v11;
	v18 =	vld [tilespmem:s21+$0x40F0];
	s21 =	sshra.s32 s22, $0x2  }
0x34: {  	v13 =	vadd.f32 v3, v13;
	v2 =	vld [tilespmem:s21+$0x4080];
	v12 =	vadd.f32 v4, v12  }
0x35: {  	v8 =	vadd.f32 v14, v8;
	v9 =	vadd.f32 v15, v9;
	v5 =	vld [tilespmem:s21+$0x4090]  }
0x36: {  	v7 =	vadd.f32 v16, v7;
	v3 =	vld [tilespmem:s21+$0x40A0];
	v6 =	vadd.f32 v19, v6  }
0x37: {  	v8 =	vadd.f32 v0, v8;
	v9 =	vadd.f32 v1, v9;
	v4 =	vld [tilespmem:s21+$0x40B0]  }
0x38: {  	v7 =	vadd.f32 v17, v7;
	v0 =	vld [tilespmem:s21+$0x40C0];
	v6 =	vadd.f32 v18, v6  }
0x39: {  	v1 =	vld [tilespmem:s21+$0x40D0]  }
0x3a: {  	v19 =	vld [tilespmem:s21+$0x4000]  }
0x3b: {  	v20 =	vld [tilespmem:s21+$0x4010]  }
.Ltmp0:
0x3c: {  	v18 =	vld [tilespmem:s21+$0x4020];
	(pc) =	sbr.rel @p0 .LBB2_3-.Ltmp0, $4  }
0x3d: {  	v17 =	vld [tilespmem:s21+$0x4030]  }
0x3e: {  	v14 =	vld [tilespmem:s21+$0x4040]  }
0x3f: {  	v15 =	vld [tilespmem:s21+$0x4050]  }
0x40: {  	s22 =	sadd.s32 $0x400, s22;
	v16 =	vld [tilespmem:s21+$0x4060]  }
0x41: {  	v10 =	vadd.f32 v19, v10  }
0x42: {  	v11 =	vadd.f32 v20, v11  }
0x43: {  	v19 =	vld [tilespmem:s21+$0x4070];
	v13 =	vadd.f32 v18, v13;
	v2 =	vadd.f32 v2, v10  }
0x44: {  	v18 =	vld [tilespmem:s21+$0x40E0];
	v10 =	vadd.f32 v17, v12;
	v5 =	vadd.f32 v5, v11  }
0x45: {  	v11 =	vld [tilespmem:s21+$0x40F0];
	v3 =	vadd.f32 v3, v13;
	v8 =	vadd.f32 v14, v8;
	[tilespmem:s17+$0xA400] =	vst v2  }
0x46: {  	v2 =	vadd.f32 v4, v10;
	v4 =	vadd.f32 v15, v9;
	[tilespmem:s17+$0xA410] =	vst v5  }
0x47: {  	v5 =	vadd.f32 v16, v7;
	v0 =	vadd.f32 v0, v8;
	[tilespmem:s17+$0xA420] =	vst v3  }
0x48: {  	v3 =	vadd.f32 v19, v6;
	v1 =	vadd.f32 v1, v4;
	[tilespmem:s17+$0xA430] =	vst v2  }
0x49: {  	v2 =	vadd.f32 v18, v5;
	[tilespmem:s17+$0xA440] =	vst v0  }
0x4a: {  	v0 =	vadd.f32 v11, v3;
	[tilespmem:s17+$0xA450] =	vst v1  }
0x4b: {  	[tilespmem:s17+$0xA460] =	vst v2  }
0x4c: {  	s21 =	simm.s32 $0x0;
	[tilespmem:s17+$0xA470] =	vst v0  }
0x4d: {  	v2 =	vld [tilespmem:s21+$0x5980]  }
0x4e: {  	v5 =	vld [tilespmem:s21+$0x5990]  }
0x4f: {  	v3 =	vld [tilespmem:s21+$0x59A0]  }
0x50: {  	v4 =	vld [tilespmem:s21+$0x59B0]  }
0x51: {  	v0 =	vld [tilespmem:s21+$0x59C0]  }
0x52: {  	v1 =	vld [tilespmem:s21+$0x59D0]  }
0x53: {  	v19 =	vld [tilespmem:s21+$0x5900]  }
0x54: {  	v20 =	vld [tilespmem:s21+$0x5910]  }
0x55: {  	v18 =	vld [tilespmem:s21+$0x5920]  }
0x56: {  	v17 =	vld [tilespmem:s21+$0x5930]  }
0x57: {  	v13 =	vimm.f32 $0.0e+00;
	v12 =	vimm.f32 $0.0e+00;
	v14 =	vld [tilespmem:s21+$0x5940]  }
0x58: {  	v10 =	vimm.f32 $0.0e+00;
	v8 =	vimm.f32 $0.0e+00;
	v9 =	vimm.f32 $0.0e+00;
	v15 =	vld [tilespmem:s21+$0x5950]  }
0x59: {  	s22 =	simm.s32 $0x400;
	v7 =	vimm.f32 $0.0e+00;
	v6 =	vimm.f32 $0.0e+00;
	v11 =	vimm.f32 $0.0e+00;
	v16 =	vld [tilespmem:s21+$0x5960]  }
.LBB2_5:
0x5a: {  	p0 =	sne.s32 s22, $0x6000;
	v10 =	vadd.f32 v19, v10;
	v11 =	vadd.f32 v20, v11;
	v19 =	vld [tilespmem:s21+$0x5970]  }
0x5b: {  	v13 =	vadd.f32 v18, v13;
	v12 =	vadd.f32 v17, v12;
	v17 =	vld [tilespmem:s21+$0x59E0]  }
0x5c: {  	v10 =	vadd.f32 v2, v10;
	v11 =	vadd.f32 v5, v11;
	v18 =	vld [tilespmem:s21+$0x59F0];
	s21 =	sshra.s32 s22, $0x2  }
0x5d: {  	v13 =	vadd.f32 v3, v13;
	v2 =	vld [tilespmem:s21+$0x5980];
	v12 =	vadd.f32 v4, v12  }
0x5e: {  	v8 =	vadd.f32 v14, v8;
	v9 =	vadd.f32 v15, v9;
	v5 =	vld [tilespmem:s21+$0x5990]  }
0x5f: {  	v7 =	vadd.f32 v16, v7;
	v3 =	vld [tilespmem:s21+$0x59A0];
	v6 =	vadd.f32 v19, v6  }
0x60: {  	v8 =	vadd.f32 v0, v8;
	v9 =	vadd.f32 v1, v9;
	v4 =	vld [tilespmem:s21+$0x59B0]  }
0x61: {  	v7 =	vadd.f32 v17, v7;
	v0 =	vld [tilespmem:s21+$0x59C0];
	v6 =	vadd.f32 v18, v6  }
0x62: {  	v1 =	vld [tilespmem:s21+$0x59D0]  }
0x63: {  	v19 =	vld [tilespmem:s21+$0x5900]  }
0x64: {  	v20 =	vld [tilespmem:s21+$0x5910]  }
.Ltmp1:
0x65: {  	v18 =	vld [tilespmem:s21+$0x5920];
	(pc) =	sbr.rel @p0 .LBB2_5-.Ltmp1, $4  }
0x66: {  	v17 =	vld [tilespmem:s21+$0x5930]  }
0x67: {  	v14 =	vld [tilespmem:s21+$0x5940]  }
0x68: {  	v15 =	vld [tilespmem:s21+$0x5950]  }
0x69: {  	s22 =	sadd.s32 $0x400, s22;
	v16 =	vld [tilespmem:s21+$0x5960]  }
0x6a: {  	v10 =	vadd.f32 v19, v10  }
0x6b: {  	v11 =	vadd.f32 v20, v11  }
0x6c: {  	v19 =	vld [tilespmem:s21+$0x5970];
	v13 =	vadd.f32 v18, v13;
	v2 =	vadd.f32 v2, v10  }
0x6d: {  	v18 =	vld [tilespmem:s21+$0x59E0];
	v10 =	vadd.f32 v17, v12;
	v5 =	vadd.f32 v5, v11  }
0x6e: {  	v11 =	vld [tilespmem:s21+$0x59F0];
	v3 =	vadd.f32 v3, v13;
	v8 =	vadd.f32 v14, v8;
	[tilespmem:s20+$0xA400] =	vst v2  }
0x6f: {  	v2 =	vadd.f32 v4, v10;
	v4 =	vadd.f32 v15, v9;
	[tilespmem:s17+$0xA490] =	vst v5  }
0x70: {  	v0 =	vadd.f32 v0, v8;
	v5 =	vadd.f32 v16, v7;
	[tilespmem:s17+$0xA4A0] =	vst v3  }
0x71: {  	v3 =	vadd.f32 v19, v6;
	v1 =	vadd.f32 v1, v4;
	[tilespmem:s17+$0xA4B0] =	vst v2  }
0x72: {  	[tilespmem:s17+$0xA4C0] =	vst v0;
	v2 =	vadd.f32 v18, v5  }
0x73: {  	v0 =	vadd.f32 v11, v3;
	[tilespmem:s17+$0xA4D0] =	vst v1  }
0x74: {  	[tilespmem:s17+$0xA4E0] =	vst v2  }
0x75: {  	s20 =	simm.s32 $0x0;
	[tilespmem:s17+$0xA4F0] =	vst v0  }
0x76: {  	v2 =	vld [tilespmem:s20+$0x7280]  }
0x77: {  	v5 =	vld [tilespmem:s20+$0x7290]  }
0x78: {  	v3 =	vld [tilespmem:s20+$0x72A0]  }
0x79: {  	v4 =	vld [tilespmem:s20+$0x72B0]  }
0x7a: {  	v0 =	vld [tilespmem:s20+$0x72C0]  }
0x7b: {  	v1 =	vld [tilespmem:s20+$0x72D0]  }
0x7c: {  	v19 =	vld [tilespmem:s20+$0x7200]  }
0x7d: {  	v20 =	vld [tilespmem:s20+$0x7210]  }
0x7e: {  	v18 =	vld [tilespmem:s20+$0x7220]  }
0x7f: {  	v17 =	vld [tilespmem:s20+$0x7230]  }
0x80: {  	v13 =	vimm.f32 $0.0e+00;
	v12 =	vimm.f32 $0.0e+00;
	v14 =	vld [tilespmem:s20+$0x7240]  }
0x81: {  	v10 =	vimm.f32 $0.0e+00;
	v8 =	vimm.f32 $0.0e+00;
	v9 =	vimm.f32 $0.0e+00;
	v15 =	vld [tilespmem:s20+$0x7250]  }
0x82: {  	s21 =	simm.s32 $0x400;
	v7 =	vimm.f32 $0.0e+00;
	v6 =	vimm.f32 $0.0e+00;
	v11 =	vimm.f32 $0.0e+00;
	v16 =	vld [tilespmem:s20+$0x7260]  }
.LBB2_7:
0x83: {  	p0 =	sne.s32 s21, $0x6000;
	v10 =	vadd.f32 v19, v10;
	v11 =	vadd.f32 v20, v11;
	v19 =	vld [tilespmem:s20+$0x7270]  }
0x84: {  	v13 =	vadd.f32 v18, v13;
	v12 =	vadd.f32 v17, v12;
	v17 =	vld [tilespmem:s20+$0x72E0]  }
0x85: {  	v10 =	vadd.f32 v2, v10;
	v11 =	vadd.f32 v5, v11;
	v18 =	vld [tilespmem:s20+$0x72F0];
	s20 =	sshra.s32 s21, $0x2  }
0x86: {  	v13 =	vadd.f32 v3, v13;
	v2 =	vld [tilespmem:s20+$0x7280];
	v12 =	vadd.f32 v4, v12  }
0x87: {  	v8 =	vadd.f32 v14, v8;
	v9 =	vadd.f32 v15, v9;
	v5 =	vld [tilespmem:s20+$0x7290]  }
0x88: {  	v7 =	vadd.f32 v16, v7;
	v3 =	vld [tilespmem:s20+$0x72A0];
	v6 =	vadd.f32 v19, v6  }
0x89: {  	v8 =	vadd.f32 v0, v8;
	v9 =	vadd.f32 v1, v9;
	v4 =	vld [tilespmem:s20+$0x72B0]  }
0x8a: {  	v7 =	vadd.f32 v17, v7;
	v0 =	vld [tilespmem:s20+$0x72C0];
	v6 =	vadd.f32 v18, v6  }
0x8b: {  	v1 =	vld [tilespmem:s20+$0x72D0]  }
0x8c: {  	v19 =	vld [tilespmem:s20+$0x7200]  }
0x8d: {  	v20 =	vld [tilespmem:s20+$0x7210]  }
.Ltmp2:
0x8e: {  	v18 =	vld [tilespmem:s20+$0x7220];
	(pc) =	sbr.rel @p0 .LBB2_7-.Ltmp2, $4  }
0x8f: {  	v17 =	vld [tilespmem:s20+$0x7230]  }
0x90: {  	v14 =	vld [tilespmem:s20+$0x7240]  }
0x91: {  	v15 =	vld [tilespmem:s20+$0x7250]  }
0x92: {  	s21 =	sadd.s32 $0x400, s21;
	v16 =	vld [tilespmem:s20+$0x7260]  }
0x93: {  	v10 =	vadd.f32 v19, v10  }
0x94: {  	v11 =	vadd.f32 v20, v11  }
0x95: {  	v19 =	vld [tilespmem:s20+$0x7270];
	v13 =	vadd.f32 v18, v13;
	v2 =	vadd.f32 v2, v10  }
0x96: {  	v18 =	vld [tilespmem:s20+$0x72E0];
	v10 =	vadd.f32 v17, v12;
	v5 =	vadd.f32 v5, v11  }
0x97: {  	v11 =	vld [tilespmem:s20+$0x72F0];
	v3 =	vadd.f32 v3, v13;
	v8 =	vadd.f32 v14, v8;
	[tilespmem:s19+$0xA400] =	vst v2  }
0x98: {  	v2 =	vadd.f32 v4, v10;
	v4 =	vadd.f32 v15, v9;
	[tilespmem:s17+$0xA510] =	vst v5  }
0x99: {  	v0 =	vadd.f32 v0, v8;
	v5 =	vadd.f32 v16, v7;
	[tilespmem:s17+$0xA520] =	vst v3  }
0x9a: {  	v3 =	vadd.f32 v19, v6;
	v1 =	vadd.f32 v1, v4;
	[tilespmem:s17+$0xA530] =	vst v2  }
0x9b: {  	[tilespmem:s17+$0xA540] =	vst v0;
	v2 =	vadd.f32 v18, v5  }
0x9c: {  	v0 =	vadd.f32 v11, v3;
	[tilespmem:s17+$0xA550] =	vst v1  }
0x9d: {  	[tilespmem:s17+$0xA560] =	vst v2  }
0x9e: {  	s19 =	simm.s32 $0x0;
	[tilespmem:s17+$0xA570] =	vst v0  }
0x9f: {  	v2 =	vld [tilespmem:s19+$0x8B80]  }
0xa0: {  	v5 =	vld [tilespmem:s19+$0x8B90]  }
0xa1: {  	v3 =	vld [tilespmem:s19+$0x8BA0]  }
0xa2: {  	v4 =	vld [tilespmem:s19+$0x8BB0]  }
0xa3: {  	v0 =	vld [tilespmem:s19+$0x8BC0]  }
0xa4: {  	v1 =	vld [tilespmem:s19+$0x8BD0]  }
0xa5: {  	v19 =	vld [tilespmem:s19+$0x8B00]  }
0xa6: {  	v20 =	vld [tilespmem:s19+$0x8B10]  }
0xa7: {  	v18 =	vld [tilespmem:s19+$0x8B20]  }
0xa8: {  	v17 =	vld [tilespmem:s19+$0x8B30]  }
0xa9: {  	v13 =	vimm.f32 $0.0e+00;
	v12 =	vimm.f32 $0.0e+00;
	v14 =	vld [tilespmem:s19+$0x8B40]  }
0xaa: {  	v10 =	vimm.f32 $0.0e+00;
	v8 =	vimm.f32 $0.0e+00;
	v9 =	vimm.f32 $0.0e+00;
	v15 =	vld [tilespmem:s19+$0x8B50]  }
0xab: {  	s20 =	simm.s32 $0x400;
	v7 =	vimm.f32 $0.0e+00;
	v6 =	vimm.f32 $0.0e+00;
	v11 =	vimm.f32 $0.0e+00;
	v16 =	vld [tilespmem:s19+$0x8B60]  }
.LBB2_9:
0xac: {  	p0 =	sne.s32 s20, $0x6000;
	v10 =	vadd.f32 v19, v10;
	v11 =	vadd.f32 v20, v11;
	v19 =	vld [tilespmem:s19+$0x8B70]  }
0xad: {  	v13 =	vadd.f32 v18, v13;
	v12 =	vadd.f32 v17, v12;
	v17 =	vld [tilespmem:s19+$0x8BE0]  }
0xae: {  	v10 =	vadd.f32 v2, v10;
	v11 =	vadd.f32 v5, v11;
	v18 =	vld [tilespmem:s19+$0x8BF0];
	s19 =	sshra.s32 s20, $0x2  }
0xaf: {  	v13 =	vadd.f32 v3, v13;
	v2 =	vld [tilespmem:s19+$0x8B80];
	v12 =	vadd.f32 v4, v12  }
0xb0: {  	v8 =	vadd.f32 v14, v8;
	v9 =	vadd.f32 v15, v9;
	v5 =	vld [tilespmem:s19+$0x8B90]  }
0xb1: {  	v7 =	vadd.f32 v16, v7;
	v3 =	vld [tilespmem:s19+$0x8BA0];
	v6 =	vadd.f32 v19, v6  }
0xb2: {  	v8 =	vadd.f32 v0, v8;
	v9 =	vadd.f32 v1, v9;
	v4 =	vld [tilespmem:s19+$0x8BB0]  }
0xb3: {  	v7 =	vadd.f32 v17, v7;
	v0 =	vld [tilespmem:s19+$0x8BC0];
	v6 =	vadd.f32 v18, v6  }
0xb4: {  	v1 =	vld [tilespmem:s19+$0x8BD0]  }
0xb5: {  	v19 =	vld [tilespmem:s19+$0x8B00]  }
0xb6: {  	v20 =	vld [tilespmem:s19+$0x8B10]  }
.Ltmp3:
0xb7: {  	v18 =	vld [tilespmem:s19+$0x8B20];
	(pc) =	sbr.rel @p0 .LBB2_9-.Ltmp3, $4  }
0xb8: {  	v17 =	vld [tilespmem:s19+$0x8B30]  }
0xb9: {  	v14 =	vld [tilespmem:s19+$0x8B40]  }
0xba: {  	v15 =	vld [tilespmem:s19+$0x8B50]  }
0xbb: {  	s20 =	sadd.s32 $0x400, s20;
	v16 =	vld [tilespmem:s19+$0x8B60]  }
0xbc: {  	v10 =	vadd.f32 v19, v10  }
0xbd: {  	v11 =	vadd.f32 v20, v11  }
0xbe: {  	v54 =	vld [tilespmem:s19+$0x8B70];
	v13 =	vadd.f32 v18, v13;
	v2 =	vadd.f32 v2, v10  }
0xbf: {  	v55 =	vld [tilespmem:s19+$0x8BE0];
	v56 =	vadd.f32 v17, v12;
	v5 =	vadd.f32 v5, v11  }
0xc0: {  	v57 =	vld [tilespmem:s19+$0x8BF0];
	v3 =	vadd.f32 v3, v13;
	v8 =	vadd.f32 v14, v8;
	[tilespmem:s18+$0xA400] =	vst v2  }
0xc1: {  	s16 =	sadd.s32 $0x1, s16;
	v58 =	vadd.f32 v4, v56;
	v59 =	vadd.f32 v15, v9;
	[tilespmem:s17+$0xA590] =	vst v5  }
0xc2: {  	p0 =	sne.s32 s16, $0x20;
	v60 =	vadd.f32 v16, v7;
	v0 =	vadd.f32 v0, v8;
	[tilespmem:s17+$0xA5A0] =	vst v3  }
.Ltmp4:
0xc3: {  	v61 =	vadd.f32 v54, v6;
	v1 =	vadd.f32 v1, v59;
	[tilespmem:s17+$0xA5B0] =	vst v58;
	(pc) =	sbr.rel @p0 .LBB2_2-.Ltmp4, $4  }
0xc4: {  	v62 =	vadd.f32 v55, v60;
	[tilespmem:s17+$0xA5C0] =	vst v0  }
0xc5: {  	v63 =	vadd.f32 v57, v61;
	[tilespmem:s17+$0xA5D0] =	vst v1  }
0xc6: {  	[tilespmem:s17+$0xA5E0] =	vst v62  }
0xc7: {  	[tilespmem:s17+$0xA5F0] =	vst v63  }
0xc8: {  	s15 =	sadd.s32 $0x1, s15  }
0xc9: {  	p0 =	sne.s32 s15, s6  }
.Ltmp5:
0xca: {  	_ = 	snop;
	(pc) =	sbr.rel @p0 .LBB2_1-.Ltmp5, $4  }
0xcb: {  	[hbm4b:s5+s3] =	stream.linear.scatter [tilespmem:s14], [sflag:$0x2], $0x4000, $0x38;
	[tilespmem:$0xE400] =	vst v63  }
0xcc: {  	_ =	swait.ge [sflag:s7], $0x4000  }
0xcd: {  	[sflag:s7] =	ssyncset.done $0x0  }
0xce: {  	[sflag:s7] =	ssyncadd.s32 $0xFFFFC000  }
0xcf: {  	_ =	sfence.sel $0x180000  }
0xd0: {  	[bflag:$0x0] =	sbarrier.arrive $0xFFFF  }
0xd1: {  	p0 =	sne.s32 s1, $0x0;
	_ =	strace $0x90000047  }
0xd2: {  	s0 =	sadd.s32 @!p0 $0x100000, s0;
	[bflag:$0x2] =	sbarrier.arrive $0xFFFF  }
0xd3: {  	[sflag:s0] =	ssyncadd.tile.s32 @!p0 $0x1;
	_ =	shalt  }
.Lfunc_end2:
_tile_overlayer_lowered:
.L_overlay_start_2:
0xd4: {  	(tag) =	ssettag $0x2  }
0xd5: {  	s0 =	rddreg [dreg:$0x0];
	s2 =	stileid.u32  }
0xd6: {  	s1 =	rddreg [dreg:$0x1];
	p0 =	sne.s32 s2, $0x0  }
0xd7: {  	s3 =	rddreg [dreg:$0x2];
	[bflag:$0x3] =	sbarrier.arrive $0xFFFF;
	s2 =	simm.s32 @!p0 $0x1C02  }
0xd8: {  	[timem:s3], [sflag:s2] =	dma.local @!p0 [hbm:s0], s1  }
0xd9: {  	s0 =	simm.s32 @!p0 $0x2  }
0xda: {  	_ =	swait.ge @!p0 [sflag:s0], s1  }
0xdb: {  	s1 =	ssub.s32 @!p0 $0x0, s1;
	[sflag:s0] =	ssyncset.done @!p0 $0x0  }
0xdc: {  	[sflag:s0] =	ssyncadd.s32 @!p0 s1  }
0xdd: {  	[bflag:$0x3] =	sbarrier.arrive $0xFFFF  }
0xde: {  	_ =	shalt  }

</sc_bundles>
